<compile_context>
chip_gen: v7x
topology: tpu7x:2x2x1
jax: 0.10.2.dev20260603
libtpu: 0.0.44.dev20260713+nightly
codegen_flags: <defaults>
</compile_context>

<pallas_src>
import functools

import jax
import jax.numpy as jnp
from jax import lax
from jax.experimental import pallas as pl
from jax.experimental.pallas import tpu as pltpu
from jax.experimental.pallas import tpu_sc as plsc

N = 10000
E = 320000
D = 128

NC = 2
NS = 16
NW = NC * NS
CH = 112
CPT = 90
EPT = CH * CPT
NPAD = 10112
RPT = NPAD // NS

_R = 1000



def _post_body(p_ref, w_ref, b_ref, o_ref, *, relu):
    y = jnp.dot(p_ref[0] + p_ref[1], w_ref[...],
                preferred_element_type=jnp.float32) + b_ref[...]
    o_ref[...] = jnp.maximum(y, 0.0) if relu else y


def _post(p, W, b, relu):
    return pl.pallas_call(
        functools.partial(_post_body, relu=relu),
        grid=(N // _R,),
        in_specs=[pl.BlockSpec((2, _R, D), lambda i: (0, i, 0)),
                  pl.BlockSpec((D, D), lambda i: (0, 0)),
                  pl.BlockSpec((1, D), lambda i: (0, 0))],
        out_specs=pl.BlockSpec((_R, D), lambda i: (i, 0)),
        out_shape=jax.ShapeDtypeStruct((N, D), jnp.float32),
    )(p, W, b)



_MESH = plsc.VectorSubcoreMesh(core_axis_name="c", subcore_axis_name="s")


@functools.partial(
    pl.kernel,
    mesh=_MESH,
    out_type=jax.ShapeDtypeStruct((2 * NPAD, D), jnp.float32),
    scratch_types=[
        pltpu.VMEM((EPT,), jnp.int32),
        pltpu.VMEM((EPT,), jnp.int32),
        pltpu.VMEM((CH, D), jnp.float32),
        pltpu.VMEM((CH, D), jnp.float32),
        pltpu.VMEM_SHARED((NPAD, D), jnp.float32),
        pltpu.SemaphoreType.DMA,
        pltpu.SemaphoreType.DMA,
    ],
)
def _sc_aggregate(hw_hbm, src_hbm, dst_hbm, zeros_hbm, out_hbm,
                  src_v, dst_v, rows0, rows1, agg_sh, sem0, sem1):
    c = lax.axis_index("c")
    s = lax.axis_index("s")
    w = c * NS + s
    ebase = w * EPT

    pltpu.sync_copy(zeros_hbm, agg_sh.at[pl.ds(s * RPT, RPT)])
    pltpu.sync_copy(src_hbm.at[pl.ds(ebase, EPT)], src_v)
    pltpu.sync_copy(dst_hbm.at[pl.ds(ebase, EPT)], dst_v)

    pltpu.async_copy(hw_hbm.at[src_v.at[pl.ds(0, CH)]], rows0, sem0)
    plsc.subcore_barrier()

    def _wait(rows, sem):
        pltpu.make_async_copy(hw_hbm.at[src_v.at[pl.ds(0, CH)]],
                              rows, sem).wait()

    def body(t, _):
        c0 = 2 * t
        h1 = pltpu.async_copy(hw_hbm.at[src_v.at[pl.ds((c0 + 1) * CH, CH)]],
                              rows1, sem1)
        _wait(rows0, sem0)
        pltpu.sync_copy(rows0, agg_sh.at[dst_v.at[pl.ds(c0 * CH, CH)]],
                        add=True)
        @pl.when(t < CPT // 2 - 1)
        def _():
            pltpu.async_copy(hw_hbm.at[src_v.at[pl.ds((c0 + 2) * CH, CH)]],
                             rows0, sem0)
        h1.wait()
        pltpu.sync_copy(rows1, agg_sh.at[dst_v.at[pl.ds((c0 + 1) * CH, CH)]],
                        add=True)
        return ()

    lax.fori_loop(0, CPT // 2, body, ())
    plsc.subcore_barrier()

    pltpu.sync_copy(agg_sh.at[pl.ds(s * RPT, RPT)],
                    out_hbm.at[pl.ds(c * NPAD + s * RPT, RPT)])


def _aggregate(hw, srcf, dstf, zeros):
    return _sc_aggregate(hw, srcf, dstf, zeros).reshape(2, NPAD, D)



def kernel(x, edge_index, W0, b0, W1, b1, W2, b2):
    pad_e = EPT - E // NW
    src = edge_index[0].reshape(NW, E // NW)
    dst = edge_index[1].reshape(NW, E // NW)
    src_pad = jnp.zeros((NW, pad_e), dtype=jnp.int32)
    dst_pad = jnp.broadcast_to(
        N + jnp.arange(pad_e, dtype=jnp.int32), (NW, pad_e))
    srcf = jnp.concatenate([src, src_pad], axis=1).reshape(-1)
    dstf = jnp.concatenate([dst, dst_pad], axis=1).reshape(-1)
    zeros = jnp.zeros((RPT, D), dtype=jnp.float32)
    b0r = b0.reshape(1, D)
    b1r = b1.reshape(1, D)
    b2r = b2.reshape(1, D)

    p = _aggregate(x, srcf, dstf, zeros)
    h = _post(p, W0, b0r, relu=True)
    p = _aggregate(h, srcf, dstf, zeros)
    h = _post(p, W1, b1r, relu=True)
    p = _aggregate(h, srcf, dstf, zeros)
    return _post(p, W2, b2r, relu=False)

# --- scband reference (transcript-rebuilt; emitter-appended) ---
"""Pipeline reference for scband-gcn-75179107549523 (READ-ONLY COPY).

The authoritative reference and input builder live on the scoring server;
editing this copy changes nothing except your own understanding.
"""

import jax, jax.numpy as jnp
import numpy as np

N = 10000
E = 320000
D_IN = 128
D_H = 128
D_OUT = 128


def _glorot(key, fan_in, fan_out):
    limit = np.sqrt(6.0 / (fan_in + fan_out))
    return jax.random.uniform(key, (fan_in, fan_out), dtype=jnp.float32, minval=-limit, maxval=limit)


def setup_inputs(seed: int = 0) -> dict:
    key = jax.random.key(seed)
    ks = jax.random.split(key, 8)
    x = jax.random.normal(ks[0], (N, D_IN), dtype=jnp.float32)
    edge_index = jax.random.randint(ks[1], (2, E), 0, N, dtype=jnp.int32)
    W0 = _glorot(ks[2], D_IN, D_H)
    b0 = jnp.zeros((D_H,), dtype=jnp.float32)
    W1 = _glorot(ks[3], D_H, D_H)
    b1 = jnp.zeros((D_H,), dtype=jnp.float32)
    W2 = _glorot(ks[4], D_H, D_OUT)
    b2 = jnp.zeros((D_OUT,), dtype=jnp.float32)
    return {"x": x, "edge_index": edge_index, "W0": W0, "b0": b0, "W1": W1, "b1": b1, "W2": W2, "b2": b2}


def reference(x, edge_index, W0, b0, W1, b1, W2, b2):
    # GCN with 3 GCNConv layers (normalize=False), dropout p=0.0, no BN, no residual.
    # GCNConv(normalize=False) with SparseTensor adj_t: out = spmm_sum(adj_t, x @ W) + bias
    src = edge_index[0]
    dst = edge_index[1]

    def conv(h, W, b):
        h = h @ W
        msg = jnp.take(h, src, axis=0)          # gather source-node features per edge
        agg = jax.ops.segment_sum(msg, dst, num_segments=N)  # scatter-add to dst nodes
        return agg + b

    h = jax.nn.relu(conv(x, W0, b0))
    h = jax.nn.relu(conv(h, W1, b1))
    out = conv(h, W2, b2)
    return out

if __name__ == "__main__":
    import jax
    _d = setup_inputs()
    print(jax.jit(kernel)(*tuple(_d.values())))

</pallas_src>

<mosaic_0001>
#map = affine_map<(d0, d1) -> (0, 0)>
#map1 = affine_map<(d0, d1) -> (0)>
module attributes {stable_mosaic.version = 14 : i64} {
  func.func @_sc_aggregate(%arg0: i32, %arg1: i32, %arg2: memref<10000x128xf32, #tpu.memory_space<hbm>>, %arg3: memref<322560xi32, #tpu.memory_space<hbm>>, %arg4: memref<322560xi32, #tpu.memory_space<hbm>>, %arg5: memref<632x128xf32, #tpu.memory_space<hbm>>, %arg6: memref<20224x128xf32, #tpu.memory_space<hbm>>, %arg7: memref<10080xi32, #tpu.memory_space<vmem>>, %arg8: memref<10080xi32, #tpu.memory_space<vmem>>, %arg9: memref<112x128xf32, #tpu.memory_space<vmem>>, %arg10: memref<112x128xf32, #tpu.memory_space<vmem>>, %arg11: memref<10112x128xf32, #tpu.memory_space<vmem_shared>>, %arg12: memref<!tpu.dma_semaphore, #tpu.memory_space<semaphore_mem>>, %arg13: memref<!tpu.dma_semaphore, #tpu.memory_space<semaphore_mem>>) attributes {dimension_semantics = [#tpu.dimension_semantics<core_parallel>, #tpu.dimension_semantics<subcore_parallel>], iteration_bounds = array<i64: 2, 16>, scalar_prefetch = 0 : i64, scratch_operands = 7 : i64, tpu.core_type = #tpu.core_type<sc_vector_subcore>, window_params = [{transform_indices = #map}, {transform_indices = #map1}, {transform_indices = #map1}, {transform_indices = #map}, {transform_indices = #map}]} {
    %mul3A = arith.constant 16 : i32
    %mul3A_0 = arith.muli %arg0, %mul3A : i32
    %add3A = arith.addi %mul3A_0, %arg1 : i32
    %mul3A_1 = arith.constant 10080 : i32
    %mul3A_2 = arith.muli %add3A, %mul3A_1 : i32
    %mul3A_3 = arith.constant 632 : i32
    %mul3A_4 = arith.muli %arg1, %mul3A_3 : i32
    "tpu.region"() ({
      %run_scoped3A = tpu.sem_alloc : memref<!tpu.dma_semaphore, #tpu.memory_space<semaphore_mem>>
      %dma_start3A_21 = arith.constant 0 : i32
      %dma_start3A_22 = tpu.memref_slice %arg11[%mul3A_4, %dma_start3A_21] : memref<10112x128xf32, #tpu.memory_space<vmem_shared>> -> memref<632x128xf32, #tpu.memory_space<vmem_shared>>
      tpu.enqueue_dma source(%arg5 : memref<632x128xf32, #tpu.memory_space<hbm>>) target(%dma_start3A_22 : memref<632x128xf32, #tpu.memory_space<vmem_shared>>) target_semaphore(%run_scoped3A : memref<!tpu.dma_semaphore, #tpu.memory_space<semaphore_mem>>)
      %dma_wait3A = arith.constant 0 : i32
      %dma_wait3A_23 = tpu.memref_slice %arg11[%mul3A_4, %dma_wait3A] : memref<10112x128xf32, #tpu.memory_space<vmem_shared>> -> memref<632x128xf32, #tpu.memory_space<vmem_shared>>
      tpu.wait_dma2 semaphore(%run_scoped3A : memref<!tpu.dma_semaphore, #tpu.memory_space<semaphore_mem>>) src(%arg5 : memref<632x128xf32, #tpu.memory_space<hbm>>) dst(%dma_wait3A_23 : memref<632x128xf32, #tpu.memory_space<vmem_shared>>)
      tpu.yield
    }) : () -> ()
    "tpu.region"() ({
      %run_scoped3A = tpu.sem_alloc : memref<!tpu.dma_semaphore, #tpu.memory_space<semaphore_mem>>
      %dma_start3A_21 = tpu.memref_slice %arg3[%mul3A_2] : memref<322560xi32, #tpu.memory_space<hbm>> -> memref<10080xi32, #tpu.memory_space<hbm>>
      %dma_start3A_22 = tpu.memref_slice %arg3[%mul3A_2] : memref<322560xi32, #tpu.memory_space<hbm>> -> memref<10080xi32, #tpu.memory_space<hbm>>
      tpu.enqueue_dma source(%dma_start3A_22 : memref<10080xi32, #tpu.memory_space<hbm>>) target(%arg7 : memref<10080xi32, #tpu.memory_space<vmem>>) target_semaphore(%run_scoped3A : memref<!tpu.dma_semaphore, #tpu.memory_space<semaphore_mem>>)
      %dma_wait3A = tpu.memref_slice %arg3[%mul3A_2] : memref<322560xi32, #tpu.memory_space<hbm>> -> memref<10080xi32, #tpu.memory_space<hbm>>
      %dma_wait3A_23 = tpu.memref_slice %arg3[%mul3A_2] : memref<322560xi32, #tpu.memory_space<hbm>> -> memref<10080xi32, #tpu.memory_space<hbm>>
      tpu.wait_dma2 semaphore(%run_scoped3A : memref<!tpu.dma_semaphore, #tpu.memory_space<semaphore_mem>>) src(%dma_wait3A_23 : memref<10080xi32, #tpu.memory_space<hbm>>) dst(%arg7 : memref<10080xi32, #tpu.memory_space<vmem>>)
      tpu.yield
    }) : () -> ()
    "tpu.region"() ({
      %run_scoped3A = tpu.sem_alloc : memref<!tpu.dma_semaphore, #tpu.memory_space<semaphore_mem>>
      %dma_start3A_21 = tpu.memref_slice %arg4[%mul3A_2] : memref<322560xi32, #tpu.memory_space<hbm>> -> memref<10080xi32, #tpu.memory_space<hbm>>
      %dma_start3A_22 = tpu.memref_slice %arg4[%mul3A_2] : memref<322560xi32, #tpu.memory_space<hbm>> -> memref<10080xi32, #tpu.memory_space<hbm>>
      tpu.enqueue_dma source(%dma_start3A_22 : memref<10080xi32, #tpu.memory_space<hbm>>) target(%arg8 : memref<10080xi32, #tpu.memory_space<vmem>>) target_semaphore(%run_scoped3A : memref<!tpu.dma_semaphore, #tpu.memory_space<semaphore_mem>>)
      %dma_wait3A = tpu.memref_slice %arg4[%mul3A_2] : memref<322560xi32, #tpu.memory_space<hbm>> -> memref<10080xi32, #tpu.memory_space<hbm>>
      %dma_wait3A_23 = tpu.memref_slice %arg4[%mul3A_2] : memref<322560xi32, #tpu.memory_space<hbm>> -> memref<10080xi32, #tpu.memory_space<hbm>>
      tpu.wait_dma2 semaphore(%run_scoped3A : memref<!tpu.dma_semaphore, #tpu.memory_space<semaphore_mem>>) src(%dma_wait3A_23 : memref<10080xi32, #tpu.memory_space<hbm>>) dst(%arg8 : memref<10080xi32, #tpu.memory_space<vmem>>)
      tpu.yield
    }) : () -> ()
    %dma_start3A = arith.constant 0 : i32
    %dma_start3A_5 = tpu.memref_slice %arg7[%dma_start3A] : memref<10080xi32, #tpu.memory_space<vmem>> -> memref<112xi32, #tpu.memory_space<vmem>>
    %dma_start3A_6 = arith.constant 0 : i32
    %dma_start3A_7 = arith.constant 0 : i32
    %dma_start3A_8 = tpu.memref_slice %arg2[%dma_start3A_6, %dma_start3A_7] : memref<10000x128xf32, #tpu.memory_space<hbm>> -> memref<10000x128xf32, #tpu.memory_space<hbm>>
    tpu.enqueue_indirect_dma source(%dma_start3A_8 : memref<10000x128xf32, #tpu.memory_space<hbm>>) target(%arg9 : memref<112x128xf32, #tpu.memory_space<vmem>>) offsets(%dma_start3A_5 : memref<112xi32, #tpu.memory_space<vmem>>) semaphore(%arg12 : memref<!tpu.dma_semaphore, #tpu.memory_space<semaphore_mem>>)
    %barrier3A = arith.constant 0 : index
    tpu.barrier barrier_id(%barrier3A)
    %scan3A = arith.constant 0 : i32
    %scan3A_9 = arith.constant 45 : i32
    %scan3A_10 = arith.addi %scan3A, %scan3A_9 : i32
    %scan3A_11 = arith.constant 1 : i32
    scf.for %scan3A_21 = %scan3A to %scan3A_10 step %scan3A_11  : i32 {
      %mul3A_22 = arith.constant 2 : i32
      %mul3A_23 = arith.muli %mul3A_22, %scan3A_21 : i32
      %add3A_24 = arith.constant 1 : i32
      %add3A_25 = arith.addi %mul3A_23, %add3A_24 : i32
      %mul3A_26 = arith.constant 112 : i32
      %mul3A_27 = arith.muli %add3A_25, %mul3A_26 : i32
      %dma_start3A_28 = tpu.memref_slice %arg7[%mul3A_27] : memref<10080xi32, #tpu.memory_space<vmem>> -> memref<112xi32, #tpu.memory_space<vmem>>
      %dma_start3A_29 = arith.constant 0 : i32
      %dma_start3A_30 = arith.constant 0 : i32
      %dma_start3A_31 = tpu.memref_slice %arg2[%dma_start3A_29, %dma_start3A_30] : memref<10000x128xf32, #tpu.memory_space<hbm>> -> memref<10000x128xf32, #tpu.memory_space<hbm>>
      tpu.enqueue_indirect_dma source(%dma_start3A_31 : memref<10000x128xf32, #tpu.memory_space<hbm>>) target(%arg10 : memref<112x128xf32, #tpu.memory_space<vmem>>) offsets(%dma_start3A_28 : memref<112xi32, #tpu.memory_space<vmem>>) semaphore(%arg13 : memref<!tpu.dma_semaphore, #tpu.memory_space<semaphore_mem>>)
      %dma_wait3A = arith.constant 0 : i32
      %dma_wait3A_32 = tpu.memref_slice %arg7[%dma_wait3A] : memref<10080xi32, #tpu.memory_space<vmem>> -> memref<112xi32, #tpu.memory_space<vmem>>
      %dma_wait3A_33 = arith.constant 0 : i32
      %dma_wait3A_34 = arith.constant 0 : i32
      %dma_wait3A_35 = tpu.memref_slice %arg2[%dma_wait3A_33, %dma_wait3A_34] : memref<10000x128xf32, #tpu.memory_space<hbm>> -> memref<10000x128xf32, #tpu.memory_space<hbm>>
      tpu.wait_indirect_dma semaphore(%arg12 : memref<!tpu.dma_semaphore, #tpu.memory_space<semaphore_mem>>) src(%dma_wait3A_35 : memref<10000x128xf32, #tpu.memory_space<hbm>>) dst(%arg9 : memref<112x128xf32, #tpu.memory_space<vmem>>)
      %mul3A_36 = arith.constant 112 : i32
      %mul3A_37 = arith.muli %mul3A_23, %mul3A_36 : i32
      "tpu.region"() ({
        %run_scoped3A = tpu.sem_alloc : memref<!tpu.dma_semaphore, #tpu.memory_space<semaphore_mem>>
        %dma_start3A_48 = tpu.memref_slice %arg8[%mul3A_37] : memref<10080xi32, #tpu.memory_space<vmem>> -> memref<112xi32, #tpu.memory_space<vmem>>
        %dma_start3A_49 = arith.constant 0 : i32
        %dma_start3A_50 = arith.constant 0 : i32
        %dma_start3A_51 = tpu.memref_slice %arg11[%dma_start3A_49, %dma_start3A_50] : memref<10112x128xf32, #tpu.memory_space<vmem_shared>> -> memref<10112x128xf32, #tpu.memory_space<vmem_shared>>
        tpu.enqueue_indirect_dma source(%arg9 : memref<112x128xf32, #tpu.memory_space<vmem>>) target(%dma_start3A_51 : memref<10112x128xf32, #tpu.memory_space<vmem_shared>>) offsets(%dma_start3A_48 : memref<112xi32, #tpu.memory_space<vmem>>) semaphore(%run_scoped3A : memref<!tpu.dma_semaphore, #tpu.memory_space<semaphore_mem>>) {add = true}
        %dma_wait3A_52 = tpu.memref_slice %arg8[%mul3A_37] : memref<10080xi32, #tpu.memory_space<vmem>> -> memref<112xi32, #tpu.memory_space<vmem>>
        %dma_wait3A_53 = arith.constant 0 : i32
        %dma_wait3A_54 = arith.constant 0 : i32
        %dma_wait3A_55 = tpu.memref_slice %arg11[%dma_wait3A_53, %dma_wait3A_54] : memref<10112x128xf32, #tpu.memory_space<vmem_shared>> -> memref<10112x128xf32, #tpu.memory_space<vmem_shared>>
        tpu.wait_indirect_dma semaphore(%run_scoped3A : memref<!tpu.dma_semaphore, #tpu.memory_space<semaphore_mem>>) src(%arg9 : memref<112x128xf32, #tpu.memory_space<vmem>>) dst(%dma_wait3A_55 : memref<10112x128xf32, #tpu.memory_space<vmem_shared>>)
        tpu.yield
      }) : () -> ()
      %lt3A = arith.constant 44 : i32
      %lt3A_38 = arith.cmpi slt, %scan3A_21, %lt3A : i32
      %convert_element_type3A = arith.extui %lt3A_38 : i1 to i32
      %cond3A = arith.constant 0 : i32
      %cond3A_39 = arith.cmpi ne, %convert_element_type3A, %cond3A : i32
      scf.if %cond3A_39 {
        %add3A_48 = arith.constant 2 : i32
        %add3A_49 = arith.addi %mul3A_23, %add3A_48 : i32
        %mul3A_50 = arith.constant 112 : i32
        %mul3A_51 = arith.muli %add3A_49, %mul3A_50 : i32
        %dma_start3A_52 = tpu.memref_slice %arg7[%mul3A_51] : memref<10080xi32, #tpu.memory_space<vmem>> -> memref<112xi32, #tpu.memory_space<vmem>>
        %dma_start3A_53 = arith.constant 0 : i32
        %dma_start3A_54 = arith.constant 0 : i32
        %dma_start3A_55 = tpu.memref_slice %arg2[%dma_start3A_53, %dma_start3A_54] : memref<10000x128xf32, #tpu.memory_space<hbm>> -> memref<10000x128xf32, #tpu.memory_space<hbm>>
        tpu.enqueue_indirect_dma source(%dma_start3A_55 : memref<10000x128xf32, #tpu.memory_space<hbm>>) target(%arg9 : memref<112x128xf32, #tpu.memory_space<vmem>>) offsets(%dma_start3A_52 : memref<112xi32, #tpu.memory_space<vmem>>) semaphore(%arg12 : memref<!tpu.dma_semaphore, #tpu.memory_space<semaphore_mem>>)
      } else {
      }
      %dma_wait3A_40 = tpu.memref_slice %arg7[%mul3A_27] : memref<10080xi32, #tpu.memory_space<vmem>> -> memref<112xi32, #tpu.memory_space<vmem>>
      %dma_wait3A_41 = arith.constant 0 : i32
      %dma_wait3A_42 = arith.constant 0 : i32
      %dma_wait3A_43 = tpu.memref_slice %arg2[%dma_wait3A_41, %dma_wait3A_42] : memref<10000x128xf32, #tpu.memory_space<hbm>> -> memref<10000x128xf32, #tpu.memory_space<hbm>>
      tpu.wait_indirect_dma semaphore(%arg13 : memref<!tpu.dma_semaphore, #tpu.memory_space<semaphore_mem>>) src(%dma_wait3A_43 : memref<10000x128xf32, #tpu.memory_space<hbm>>) dst(%arg10 : memref<112x128xf32, #tpu.memory_space<vmem>>)
      %add3A_44 = arith.constant 1 : i32
      %add3A_45 = arith.addi %mul3A_23, %add3A_44 : i32
      %mul3A_46 = arith.constant 112 : i32
      %mul3A_47 = arith.muli %add3A_45, %mul3A_46 : i32
      "tpu.region"() ({
        %run_scoped3A = tpu.sem_alloc : memref<!tpu.dma_semaphore, #tpu.memory_space<semaphore_mem>>
        %dma_start3A_48 = tpu.memref_slice %arg8[%mul3A_47] : memref<10080xi32, #tpu.memory_space<vmem>> -> memref<112xi32, #tpu.memory_space<vmem>>
        %dma_start3A_49 = arith.constant 0 : i32
        %dma_start3A_50 = arith.constant 0 : i32
        %dma_start3A_51 = tpu.memref_slice %arg11[%dma_start3A_49, %dma_start3A_50] : memref<10112x128xf32, #tpu.memory_space<vmem_shared>> -> memref<10112x128xf32, #tpu.memory_space<vmem_shared>>
        tpu.enqueue_indirect_dma source(%arg10 : memref<112x128xf32, #tpu.memory_space<vmem>>) target(%dma_start3A_51 : memref<10112x128xf32, #tpu.memory_space<vmem_shared>>) offsets(%dma_start3A_48 : memref<112xi32, #tpu.memory_space<vmem>>) semaphore(%run_scoped3A : memref<!tpu.dma_semaphore, #tpu.memory_space<semaphore_mem>>) {add = true}
        %dma_wait3A_52 = tpu.memref_slice %arg8[%mul3A_47] : memref<10080xi32, #tpu.memory_space<vmem>> -> memref<112xi32, #tpu.memory_space<vmem>>
        %dma_wait3A_53 = arith.constant 0 : i32
        %dma_wait3A_54 = arith.constant 0 : i32
        %dma_wait3A_55 = tpu.memref_slice %arg11[%dma_wait3A_53, %dma_wait3A_54] : memref<10112x128xf32, #tpu.memory_space<vmem_shared>> -> memref<10112x128xf32, #tpu.memory_space<vmem_shared>>
        tpu.wait_indirect_dma semaphore(%run_scoped3A : memref<!tpu.dma_semaphore, #tpu.memory_space<semaphore_mem>>) src(%arg10 : memref<112x128xf32, #tpu.memory_space<vmem>>) dst(%dma_wait3A_55 : memref<10112x128xf32, #tpu.memory_space<vmem_shared>>)
        tpu.yield
      }) : () -> ()
    }
    %scan3A_12 = arith.constant 45 : i32
    %barrier3A_13 = arith.constant 0 : index
    tpu.barrier barrier_id(%barrier3A_13)
    %mul3A_14 = arith.constant 632 : i32
    %mul3A_15 = arith.muli %arg1, %mul3A_14 : i32
    %mul3A_16 = arith.constant 10112 : i32
    %mul3A_17 = arith.muli %arg0, %mul3A_16 : i32
    %mul3A_18 = arith.constant 632 : i32
    %mul3A_19 = arith.muli %arg1, %mul3A_18 : i32
    %add3A_20 = arith.addi %mul3A_17, %mul3A_19 : i32
    "tpu.region"() ({
      %run_scoped3A = tpu.sem_alloc : memref<!tpu.dma_semaphore, #tpu.memory_space<semaphore_mem>>
      %dma_start3A_21 = arith.constant 0 : i32
      %dma_start3A_22 = tpu.memref_slice %arg6[%add3A_20, %dma_start3A_21] : memref<20224x128xf32, #tpu.memory_space<hbm>> -> memref<632x128xf32, #tpu.memory_space<hbm>>
      %dma_start3A_23 = arith.constant 0 : i32
      %dma_start3A_24 = tpu.memref_slice %arg11[%mul3A_15, %dma_start3A_23] : memref<10112x128xf32, #tpu.memory_space<vmem_shared>> -> memref<632x128xf32, #tpu.memory_space<vmem_shared>>
      tpu.enqueue_dma source(%dma_start3A_24 : memref<632x128xf32, #tpu.memory_space<vmem_shared>>) target(%dma_start3A_22 : memref<632x128xf32, #tpu.memory_space<hbm>>) target_semaphore(%run_scoped3A : memref<!tpu.dma_semaphore, #tpu.memory_space<semaphore_mem>>)
      %dma_wait3A = arith.constant 0 : i32
      %dma_wait3A_25 = tpu.memref_slice %arg6[%add3A_20, %dma_wait3A] : memref<20224x128xf32, #tpu.memory_space<hbm>> -> memref<632x128xf32, #tpu.memory_space<hbm>>
      %dma_wait3A_26 = arith.constant 0 : i32
      %dma_wait3A_27 = tpu.memref_slice %arg11[%mul3A_15, %dma_wait3A_26] : memref<10112x128xf32, #tpu.memory_space<vmem_shared>> -> memref<632x128xf32, #tpu.memory_space<vmem_shared>>
      tpu.wait_dma2 semaphore(%run_scoped3A : memref<!tpu.dma_semaphore, #tpu.memory_space<semaphore_mem>>) src(%dma_wait3A_27 : memref<632x128xf32, #tpu.memory_space<vmem_shared>>) dst(%dma_wait3A_25 : memref<632x128xf32, #tpu.memory_space<hbm>>)
      tpu.yield
    }) : () -> ()
    return
  }
}

#map = affine_map<(d0, d1) -> (0, 0)>
#map1 = affine_map<(d0, d1) -> (0)>
module attributes {stable_mosaic.version = 14 : i64} {
  func.func @_sc_aggregate(%arg0: i32, %arg1: i32, %arg2: memref<10000x128xf32, #tpu.memory_space<hbm>>, %arg3: memref<322560xi32, #tpu.memory_space<hbm>>, %arg4: memref<322560xi32, #tpu.memory_space<hbm>>, %arg5: memref<632x128xf32, #tpu.memory_space<hbm>>, %arg6: memref<20224x128xf32, #tpu.memory_space<hbm>>, %arg7: memref<10080xi32, #tpu.memory_space<vmem>>, %arg8: memref<10080xi32, #tpu.memory_space<vmem>>, %arg9: memref<112x128xf32, #tpu.memory_space<vmem>>, %arg10: memref<112x128xf32, #tpu.memory_space<vmem>>, %arg11: memref<10112x128xf32, #tpu.memory_space<vmem_shared>>, %arg12: memref<!tpu.dma_semaphore, #tpu.memory_space<semaphore_mem>>, %arg13: memref<!tpu.dma_semaphore, #tpu.memory_space<semaphore_mem>>) attributes {dimension_semantics = [#tpu.dimension_semantics<core_parallel>, #tpu.dimension_semantics<subcore_parallel>], iteration_bounds = array<i64: 2, 16>, scalar_prefetch = 0 : i64, scratch_operands = 7 : i64, tpu.core_type = #tpu.core_type<sc_vector_subcore>, window_params = [{transform_indices = #map}, {transform_indices = #map1}, {transform_indices = #map1}, {transform_indices = #map}, {transform_indices = #map}]} {
    %mul3A = arith.constant 16 : i32
    %mul3A_0 = arith.muli %arg0, %mul3A : i32
    %add3A = arith.addi %mul3A_0, %arg1 : i32
    %mul3A_1 = arith.constant 10080 : i32
    %mul3A_2 = arith.muli %add3A, %mul3A_1 : i32
    %mul3A_3 = arith.constant 632 : i32
    %mul3A_4 = arith.muli %arg1, %mul3A_3 : i32
    "tpu.region"() ({
      %run_scoped3A = tpu.sem_alloc : memref<!tpu.dma_semaphore, #tpu.memory_space<semaphore_mem>>
      %dma_start3A_21 = arith.constant 0 : i32
      %dma_start3A_22 = tpu.memref_slice %arg11[%mul3A_4, %dma_start3A_21] : memref<10112x128xf32, #tpu.memory_space<vmem_shared>> -> memref<632x128xf32, #tpu.memory_space<vmem_shared>>
      tpu.enqueue_dma source(%arg5 : memref<632x128xf32, #tpu.memory_space<hbm>>) target(%dma_start3A_22 : memref<632x128xf32, #tpu.memory_space<vmem_shared>>) target_semaphore(%run_scoped3A : memref<!tpu.dma_semaphore, #tpu.memory_space<semaphore_mem>>)
      %dma_wait3A = arith.constant 0 : i32
      %dma_wait3A_23 = tpu.memref_slice %arg11[%mul3A_4, %dma_wait3A] : memref<10112x128xf32, #tpu.memory_space<vmem_shared>> -> memref<632x128xf32, #tpu.memory_space<vmem_shared>>
      tpu.wait_dma2 semaphore(%run_scoped3A : memref<!tpu.dma_semaphore, #tpu.memory_space<semaphore_mem>>) src(%arg5 : memref<632x128xf32, #tpu.memory_space<hbm>>) dst(%dma_wait3A_23 : memref<632x128xf32, #tpu.memory_space<vmem_shared>>)
      tpu.yield
    }) : () -> ()
    "tpu.region"() ({
      %run_scoped3A = tpu.sem_alloc : memref<!tpu.dma_semaphore, #tpu.memory_space<semaphore_mem>>
      %dma_start3A_21 = tpu.memref_slice %arg3[%mul3A_2] : memref<322560xi32, #tpu.memory_space<hbm>> -> memref<10080xi32, #tpu.memory_space<hbm>>
      %dma_start3A_22 = tpu.memref_slice %arg3[%mul3A_2] : memref<322560xi32, #tpu.memory_space<hbm>> -> memref<10080xi32, #tpu.memory_space<hbm>>
      tpu.enqueue_dma source(%dma_start3A_22 : memref<10080xi32, #tpu.memory_space<hbm>>) target(%arg7 : memref<10080xi32, #tpu.memory_space<vmem>>) target_semaphore(%run_scoped3A : memref<!tpu.dma_semaphore, #tpu.memory_space<semaphore_mem>>)
      %dma_wait3A = tpu.memref_slice %arg3[%mul3A_2] : memref<322560xi32, #tpu.memory_space<hbm>> -> memref<10080xi32, #tpu.memory_space<hbm>>
      %dma_wait3A_23 = tpu.memref_slice %arg3[%mul3A_2] : memref<322560xi32, #tpu.memory_space<hbm>> -> memref<10080xi32, #tpu.memory_space<hbm>>
      tpu.wait_dma2 semaphore(%run_scoped3A : memref<!tpu.dma_semaphore, #tpu.memory_space<semaphore_mem>>) src(%dma_wait3A_23 : memref<10080xi32, #tpu.memory_space<hbm>>) dst(%arg7 : memref<10080xi32, #tpu.memory_space<vmem>>)
      tpu.yield
    }) : () -> ()
    "tpu.region"() ({
      %run_scoped3A = tpu.sem_alloc : memref<!tpu.dma_semaphore, #tpu.memory_space<semaphore_mem>>
      %dma_start3A_21 = tpu.memref_slice %arg4[%mul3A_2] : memref<322560xi32, #tpu.memory_space<hbm>> -> memref<10080xi32, #tpu.memory_space<hbm>>
      %dma_start3A_22 = tpu.memref_slice %arg4[%mul3A_2] : memref<322560xi32, #tpu.memory_space<hbm>> -> memref<10080xi32, #tpu.memory_space<hbm>>
      tpu.enqueue_dma source(%dma_start3A_22 : memref<10080xi32, #tpu.memory_space<hbm>>) target(%arg8 : memref<10080xi32, #tpu.memory_space<vmem>>) target_semaphore(%run_scoped3A : memref<!tpu.dma_semaphore, #tpu.memory_space<semaphore_mem>>)
      %dma_wait3A = tpu.memref_slice %arg4[%mul3A_2] : memref<322560xi32, #tpu.memory_space<hbm>> -> memref<10080xi32, #tpu.memory_space<hbm>>
      %dma_wait3A_23 = tpu.memref_slice %arg4[%mul3A_2] : memref<322560xi32, #tpu.memory_space<hbm>> -> memref<10080xi32, #tpu.memory_space<hbm>>
      tpu.wait_dma2 semaphore(%run_scoped3A : memref<!tpu.dma_semaphore, #tpu.memory_space<semaphore_mem>>) src(%dma_wait3A_23 : memref<10080xi32, #tpu.memory_space<hbm>>) dst(%arg8 : memref<10080xi32, #tpu.memory_space<vmem>>)
      tpu.yield
    }) : () -> ()
    %dma_start3A = arith.constant 0 : i32
    %dma_start3A_5 = tpu.memref_slice %arg7[%dma_start3A] : memref<10080xi32, #tpu.memory_space<vmem>> -> memref<112xi32, #tpu.memory_space<vmem>>
    %dma_start3A_6 = arith.constant 0 : i32
    %dma_start3A_7 = arith.constant 0 : i32
    %dma_start3A_8 = tpu.memref_slice %arg2[%dma_start3A_6, %dma_start3A_7] : memref<10000x128xf32, #tpu.memory_space<hbm>> -> memref<10000x128xf32, #tpu.memory_space<hbm>>
    tpu.enqueue_indirect_dma source(%dma_start3A_8 : memref<10000x128xf32, #tpu.memory_space<hbm>>) target(%arg9 : memref<112x128xf32, #tpu.memory_space<vmem>>) offsets(%dma_start3A_5 : memref<112xi32, #tpu.memory_space<vmem>>) semaphore(%arg12 : memref<!tpu.dma_semaphore, #tpu.memory_space<semaphore_mem>>)
    %barrier3A = arith.constant 0 : index
    tpu.barrier barrier_id(%barrier3A)
    %scan3A = arith.constant 0 : i32
    %scan3A_9 = arith.constant 45 : i32
    %scan3A_10 = arith.addi %scan3A, %scan3A_9 : i32
    %scan3A_11 = arith.constant 1 : i32
    scf.for %scan3A_21 = %scan3A to %scan3A_10 step %scan3A_11  : i32 {
      %mul3A_22 = arith.constant 2 : i32
      %mul3A_23 = arith.muli %mul3A_22, %scan3A_21 : i32
      %add3A_24 = arith.constant 1 : i32
      %add3A_25 = arith.addi %mul3A_23, %add3A_24 : i32
      %mul3A_26 = arith.constant 112 : i32
      %mul3A_27 = arith.muli %add3A_25, %mul3A_26 : i32
      %dma_start3A_28 = tpu.memref_slice %arg7[%mul3A_27] : memref<10080xi32, #tpu.memory_space<vmem>> -> memref<112xi32, #tpu.memory_space<vmem>>
      %dma_start3A_29 = arith.constant 0 : i32
      %dma_start3A_30 = arith.constant 0 : i32
      %dma_start3A_31 = tpu.memref_slice %arg2[%dma_start3A_29, %dma_start3A_30] : memref<10000x128xf32, #tpu.memory_space<hbm>> -> memref<10000x128xf32, #tpu.memory_space<hbm>>
      tpu.enqueue_indirect_dma source(%dma_start3A_31 : memref<10000x128xf32, #tpu.memory_space<hbm>>) target(%arg10 : memref<112x128xf32, #tpu.memory_space<vmem>>) offsets(%dma_start3A_28 : memref<112xi32, #tpu.memory_space<vmem>>) semaphore(%arg13 : memref<!tpu.dma_semaphore, #tpu.memory_space<semaphore_mem>>)
      %dma_wait3A = arith.constant 0 : i32
      %dma_wait3A_32 = tpu.memref_slice %arg7[%dma_wait3A] : memref<10080xi32, #tpu.memory_space<vmem>> -> memref<112xi32, #tpu.memory_space<vmem>>
      %dma_wait3A_33 = arith.constant 0 : i32
      %dma_wait3A_34 = arith.constant 0 : i32
      %dma_wait3A_35 = tpu.memref_slice %arg2[%dma_wait3A_33, %dma_wait3A_34] : memref<10000x128xf32, #tpu.memory_space<hbm>> -> memref<10000x128xf32, #tpu.memory_space<hbm>>
      tpu.wait_indirect_dma semaphore(%arg12 : memref<!tpu.dma_semaphore, #tpu.memory_space<semaphore_mem>>) src(%dma_wait3A_35 : memref<10000x128xf32, #tpu.memory_space<hbm>>) dst(%arg9 : memref<112x128xf32, #tpu.memory_space<vmem>>)
      %mul3A_36 = arith.constant 112 : i32
      %mul3A_37 = arith.muli %mul3A_23, %mul3A_36 : i32
      "tpu.region"() ({
        %run_scoped3A = tpu.sem_alloc : memref<!tpu.dma_semaphore, #tpu.memory_space<semaphore_mem>>
        %dma_start3A_48 = tpu.memref_slice %arg8[%mul3A_37] : memref<10080xi32, #tpu.memory_space<vmem>> -> memref<112xi32, #tpu.memory_space<vmem>>
        %dma_start3A_49 = arith.constant 0 : i32
        %dma_start3A_50 = arith.constant 0 : i32
        %dma_start3A_51 = tpu.memref_slice %arg11[%dma_start3A_49, %dma_start3A_50] : memref<10112x128xf32, #tpu.memory_space<vmem_shared>> -> memref<10112x128xf32, #tpu.memory_space<vmem_shared>>
        tpu.enqueue_indirect_dma source(%arg9 : memref<112x128xf32, #tpu.memory_space<vmem>>) target(%dma_start3A_51 : memref<10112x128xf32, #tpu.memory_space<vmem_shared>>) offsets(%dma_start3A_48 : memref<112xi32, #tpu.memory_space<vmem>>) semaphore(%run_scoped3A : memref<!tpu.dma_semaphore, #tpu.memory_space<semaphore_mem>>) {add = true}
        %dma_wait3A_52 = tpu.memref_slice %arg8[%mul3A_37] : memref<10080xi32, #tpu.memory_space<vmem>> -> memref<112xi32, #tpu.memory_space<vmem>>
        %dma_wait3A_53 = arith.constant 0 : i32
        %dma_wait3A_54 = arith.constant 0 : i32
        %dma_wait3A_55 = tpu.memref_slice %arg11[%dma_wait3A_53, %dma_wait3A_54] : memref<10112x128xf32, #tpu.memory_space<vmem_shared>> -> memref<10112x128xf32, #tpu.memory_space<vmem_shared>>
        tpu.wait_indirect_dma semaphore(%run_scoped3A : memref<!tpu.dma_semaphore, #tpu.memory_space<semaphore_mem>>) src(%arg9 : memref<112x128xf32, #tpu.memory_space<vmem>>) dst(%dma_wait3A_55 : memref<10112x128xf32, #tpu.memory_space<vmem_shared>>)
        tpu.yield
      }) : () -> ()
      %lt3A = arith.constant 44 : i32
      %lt3A_38 = arith.cmpi slt, %scan3A_21, %lt3A : i32
      %convert_element_type3A = arith.extui %lt3A_38 : i1 to i32
      %cond3A = arith.constant 0 : i32
      %cond3A_39 = arith.cmpi ne, %convert_element_type3A, %cond3A : i32
      scf.if %cond3A_39 {
        %add3A_48 = arith.constant 2 : i32
        %add3A_49 = arith.addi %mul3A_23, %add3A_48 : i32
        %mul3A_50 = arith.constant 112 : i32
        %mul3A_51 = arith.muli %add3A_49, %mul3A_50 : i32
        %dma_start3A_52 = tpu.memref_slice %arg7[%mul3A_51] : memref<10080xi32, #tpu.memory_space<vmem>> -> memref<112xi32, #tpu.memory_space<vmem>>
        %dma_start3A_53 = arith.constant 0 : i32
        %dma_start3A_54 = arith.constant 0 : i32
        %dma_start3A_55 = tpu.memref_slice %arg2[%dma_start3A_53, %dma_start3A_54] : memref<10000x128xf32, #tpu.memory_space<hbm>> -> memref<10000x128xf32, #tpu.memory_space<hbm>>
        tpu.enqueue_indirect_dma source(%dma_start3A_55 : memref<10000x128xf32, #tpu.memory_space<hbm>>) target(%arg9 : memref<112x128xf32, #tpu.memory_space<vmem>>) offsets(%dma_start3A_52 : memref<112xi32, #tpu.memory_space<vmem>>) semaphore(%arg12 : memref<!tpu.dma_semaphore, #tpu.memory_space<semaphore_mem>>)
      } else {
      }
      %dma_wait3A_40 = tpu.memref_slice %arg7[%mul3A_27] : memref<10080xi32, #tpu.memory_space<vmem>> -> memref<112xi32, #tpu.memory_space<vmem>>
      %dma_wait3A_41 = arith.constant 0 : i32
      %dma_wait3A_42 = arith.constant 0 : i32
      %dma_wait3A_43 = tpu.memref_slice %arg2[%dma_wait3A_41, %dma_wait3A_42] : memref<10000x128xf32, #tpu.memory_space<hbm>> -> memref<10000x128xf32, #tpu.memory_space<hbm>>
      tpu.wait_indirect_dma semaphore(%arg13 : memref<!tpu.dma_semaphore, #tpu.memory_space<semaphore_mem>>) src(%dma_wait3A_43 : memref<10000x128xf32, #tpu.memory_space<hbm>>) dst(%arg10 : memref<112x128xf32, #tpu.memory_space<vmem>>)
      %add3A_44 = arith.constant 1 : i32
      %add3A_45 = arith.addi %mul3A_23, %add3A_44 : i32
      %mul3A_46 = arith.constant 112 : i32
      %mul3A_47 = arith.muli %add3A_45, %mul3A_46 : i32
      "tpu.region"() ({
        %run_scoped3A = tpu.sem_alloc : memref<!tpu.dma_semaphore, #tpu.memory_space<semaphore_mem>>
        %dma_start3A_48 = tpu.memref_slice %arg8[%mul3A_47] : memref<10080xi32, #tpu.memory_space<vmem>> -> memref<112xi32, #tpu.memory_space<vmem>>
        %dma_start3A_49 = arith.constant 0 : i32
        %dma_start3A_50 = arith.constant 0 : i32
        %dma_start3A_51 = tpu.memref_slice %arg11[%dma_start3A_49, %dma_start3A_50] : memref<10112x128xf32, #tpu.memory_space<vmem_shared>> -> memref<10112x128xf32, #tpu.memory_space<vmem_shared>>
        tpu.enqueue_indirect_dma source(%arg10 : memref<112x128xf32, #tpu.memory_space<vmem>>) target(%dma_start3A_51 : memref<10112x128xf32, #tpu.memory_space<vmem_shared>>) offsets(%dma_start3A_48 : memref<112xi32, #tpu.memory_space<vmem>>) semaphore(%run_scoped3A : memref<!tpu.dma_semaphore, #tpu.memory_space<semaphore_mem>>) {add = true}
        %dma_wait3A_52 = tpu.memref_slice %arg8[%mul3A_47] : memref<10080xi32, #tpu.memory_space<vmem>> -> memref<112xi32, #tpu.memory_space<vmem>>
        %dma_wait3A_53 = arith.constant 0 : i32
        %dma_wait3A_54 = arith.constant 0 : i32
        %dma_wait3A_55 = tpu.memref_slice %arg11[%dma_wait3A_53, %dma_wait3A_54] : memref<10112x128xf32, #tpu.memory_space<vmem_shared>> -> memref<10112x128xf32, #tpu.memory_space<vmem_shared>>
        tpu.wait_indirect_dma semaphore(%run_scoped3A : memref<!tpu.dma_semaphore, #tpu.memory_space<semaphore_mem>>) src(%arg10 : memref<112x128xf32, #tpu.memory_space<vmem>>) dst(%dma_wait3A_55 : memref<10112x128xf32, #tpu.memory_space<vmem_shared>>)
        tpu.yield
      }) : () -> ()
    }
    %scan3A_12 = arith.constant 45 : i32
    %barrier3A_13 = arith.constant 0 : index
    tpu.barrier barrier_id(%barrier3A_13)
    %mul3A_14 = arith.constant 632 : i32
    %mul3A_15 = arith.muli %arg1, %mul3A_14 : i32
    %mul3A_16 = arith.constant 10112 : i32
    %mul3A_17 = arith.muli %arg0, %mul3A_16 : i32
    %mul3A_18 = arith.constant 632 : i32
    %mul3A_19 = arith.muli %arg1, %mul3A_18 : i32
    %add3A_20 = arith.addi %mul3A_17, %mul3A_19 : i32
    "tpu.region"() ({
      %run_scoped3A = tpu.sem_alloc : memref<!tpu.dma_semaphore, #tpu.memory_space<semaphore_mem>>
      %dma_start3A_21 = arith.constant 0 : i32
      %dma_start3A_22 = tpu.memref_slice %arg6[%add3A_20, %dma_start3A_21] : memref<20224x128xf32, #tpu.memory_space<hbm>> -> memref<632x128xf32, #tpu.memory_space<hbm>>
      %dma_start3A_23 = arith.constant 0 : i32
      %dma_start3A_24 = tpu.memref_slice %arg11[%mul3A_15, %dma_start3A_23] : memref<10112x128xf32, #tpu.memory_space<vmem_shared>> -> memref<632x128xf32, #tpu.memory_space<vmem_shared>>
      tpu.enqueue_dma source(%dma_start3A_24 : memref<632x128xf32, #tpu.memory_space<vmem_shared>>) target(%dma_start3A_22 : memref<632x128xf32, #tpu.memory_space<hbm>>) target_semaphore(%run_scoped3A : memref<!tpu.dma_semaphore, #tpu.memory_space<semaphore_mem>>)
      %dma_wait3A = arith.constant 0 : i32
      %dma_wait3A_25 = tpu.memref_slice %arg6[%add3A_20, %dma_wait3A] : memref<20224x128xf32, #tpu.memory_space<hbm>> -> memref<632x128xf32, #tpu.memory_space<hbm>>
      %dma_wait3A_26 = arith.constant 0 : i32
      %dma_wait3A_27 = tpu.memref_slice %arg11[%mul3A_15, %dma_wait3A_26] : memref<10112x128xf32, #tpu.memory_space<vmem_shared>> -> memref<632x128xf32, #tpu.memory_space<vmem_shared>>
      tpu.wait_dma2 semaphore(%run_scoped3A : memref<!tpu.dma_semaphore, #tpu.memory_space<semaphore_mem>>) src(%dma_wait3A_27 : memref<632x128xf32, #tpu.memory_space<vmem_shared>>) dst(%dma_wait3A_25 : memref<632x128xf32, #tpu.memory_space<hbm>>)
      tpu.yield
    }) : () -> ()
    return
  }
}

#map = affine_map<(d0, d1) -> (0, 0)>
#map1 = affine_map<(d0, d1) -> (0)>
module attributes {stable_mosaic.version = 14 : i64} {
  func.func @_sc_aggregate(%arg0: i32, %arg1: i32, %arg2: memref<10000x128xf32, #tpu.memory_space<hbm>>, %arg3: memref<322560xi32, #tpu.memory_space<hbm>>, %arg4: memref<322560xi32, #tpu.memory_space<hbm>>, %arg5: memref<632x128xf32, #tpu.memory_space<hbm>>, %arg6: memref<20224x128xf32, #tpu.memory_space<hbm>>, %arg7: memref<10080xi32, #tpu.memory_space<vmem>>, %arg8: memref<10080xi32, #tpu.memory_space<vmem>>, %arg9: memref<112x128xf32, #tpu.memory_space<vmem>>, %arg10: memref<112x128xf32, #tpu.memory_space<vmem>>, %arg11: memref<10112x128xf32, #tpu.memory_space<vmem_shared>>, %arg12: memref<!tpu.dma_semaphore, #tpu.memory_space<semaphore_mem>>, %arg13: memref<!tpu.dma_semaphore, #tpu.memory_space<semaphore_mem>>) attributes {dimension_semantics = [#tpu.dimension_semantics<core_parallel>, #tpu.dimension_semantics<subcore_parallel>], iteration_bounds = array<i64: 2, 16>, scalar_prefetch = 0 : i64, scratch_operands = 7 : i64, tpu.core_type = #tpu.core_type<sc_vector_subcore>, window_params = [{transform_indices = #map}, {transform_indices = #map1}, {transform_indices = #map1}, {transform_indices = #map}, {transform_indices = #map}]} {
    %mul3A = arith.constant 16 : i32
    %mul3A_0 = arith.muli %arg0, %mul3A : i32
    %add3A = arith.addi %mul3A_0, %arg1 : i32
    %mul3A_1 = arith.constant 10080 : i32
    %mul3A_2 = arith.muli %add3A, %mul3A_1 : i32
    %mul3A_3 = arith.constant 632 : i32
    %mul3A_4 = arith.muli %arg1, %mul3A_3 : i32
    "tpu.region"() ({
      %run_scoped3A = tpu.sem_alloc : memref<!tpu.dma_semaphore, #tpu.memory_space<semaphore_mem>>
      %dma_start3A_21 = arith.constant 0 : i32
      %dma_start3A_22 = tpu.memref_slice %arg11[%mul3A_4, %dma_start3A_21] : memref<10112x128xf32, #tpu.memory_space<vmem_shared>> -> memref<632x128xf32, #tpu.memory_space<vmem_shared>>
      tpu.enqueue_dma source(%arg5 : memref<632x128xf32, #tpu.memory_space<hbm>>) target(%dma_start3A_22 : memref<632x128xf32, #tpu.memory_space<vmem_shared>>) target_semaphore(%run_scoped3A : memref<!tpu.dma_semaphore, #tpu.memory_space<semaphore_mem>>)
      %dma_wait3A = arith.constant 0 : i32
      %dma_wait3A_23 = tpu.memref_slice %arg11[%mul3A_4, %dma_wait3A] : memref<10112x128xf32, #tpu.memory_space<vmem_shared>> -> memref<632x128xf32, #tpu.memory_space<vmem_shared>>
      tpu.wait_dma2 semaphore(%run_scoped3A : memref<!tpu.dma_semaphore, #tpu.memory_space<semaphore_mem>>) src(%arg5 : memref<632x128xf32, #tpu.memory_space<hbm>>) dst(%dma_wait3A_23 : memref<632x128xf32, #tpu.memory_space<vmem_shared>>)
      tpu.yield
    }) : () -> ()
    "tpu.region"() ({
      %run_scoped3A = tpu.sem_alloc : memref<!tpu.dma_semaphore, #tpu.memory_space<semaphore_mem>>
      %dma_start3A_21 = tpu.memref_slice %arg3[%mul3A_2] : memref<322560xi32, #tpu.memory_space<hbm>> -> memref<10080xi32, #tpu.memory_space<hbm>>
      %dma_start3A_22 = tpu.memref_slice %arg3[%mul3A_2] : memref<322560xi32, #tpu.memory_space<hbm>> -> memref<10080xi32, #tpu.memory_space<hbm>>
      tpu.enqueue_dma source(%dma_start3A_22 : memref<10080xi32, #tpu.memory_space<hbm>>) target(%arg7 : memref<10080xi32, #tpu.memory_space<vmem>>) target_semaphore(%run_scoped3A : memref<!tpu.dma_semaphore, #tpu.memory_space<semaphore_mem>>)
      %dma_wait3A = tpu.memref_slice %arg3[%mul3A_2] : memref<322560xi32, #tpu.memory_space<hbm>> -> memref<10080xi32, #tpu.memory_space<hbm>>
      %dma_wait3A_23 = tpu.memref_slice %arg3[%mul3A_2] : memref<322560xi32, #tpu.memory_space<hbm>> -> memref<10080xi32, #tpu.memory_space<hbm>>
      tpu.wait_dma2 semaphore(%run_scoped3A : memref<!tpu.dma_semaphore, #tpu.memory_space<semaphore_mem>>) src(%dma_wait3A_23 : memref<10080xi32, #tpu.memory_space<hbm>>) dst(%arg7 : memref<10080xi32, #tpu.memory_space<vmem>>)
      tpu.yield
    }) : () -> ()
    "tpu.region"() ({
      %run_scoped3A = tpu.sem_alloc : memref<!tpu.dma_semaphore, #tpu.memory_space<semaphore_mem>>
      %dma_start3A_21 = tpu.memref_slice %arg4[%mul3A_2] : memref<322560xi32, #tpu.memory_space<hbm>> -> memref<10080xi32, #tpu.memory_space<hbm>>
      %dma_start3A_22 = tpu.memref_slice %arg4[%mul3A_2] : memref<322560xi32, #tpu.memory_space<hbm>> -> memref<10080xi32, #tpu.memory_space<hbm>>
      tpu.enqueue_dma source(%dma_start3A_22 : memref<10080xi32, #tpu.memory_space<hbm>>) target(%arg8 : memref<10080xi32, #tpu.memory_space<vmem>>) target_semaphore(%run_scoped3A : memref<!tpu.dma_semaphore, #tpu.memory_space<semaphore_mem>>)
      %dma_wait3A = tpu.memref_slice %arg4[%mul3A_2] : memref<322560xi32, #tpu.memory_space<hbm>> -> memref<10080xi32, #tpu.memory_space<hbm>>
      %dma_wait3A_23 = tpu.memref_slice %arg4[%mul3A_2] : memref<322560xi32, #tpu.memory_space<hbm>> -> memref<10080xi32, #tpu.memory_space<hbm>>
      tpu.wait_dma2 semaphore(%run_scoped3A : memref<!tpu.dma_semaphore, #tpu.memory_space<semaphore_mem>>) src(%dma_wait3A_23 : memref<10080xi32, #tpu.memory_space<hbm>>) dst(%arg8 : memref<10080xi32, #tpu.memory_space<vmem>>)
      tpu.yield
    }) : () -> ()
    %dma_start3A = arith.constant 0 : i32
    %dma_start3A_5 = tpu.memref_slice %arg7[%dma_start3A] : memref<10080xi32, #tpu.memory_space<vmem>> -> memref<112xi32, #tpu.memory_space<vmem>>
    %dma_start3A_6 = arith.constant 0 : i32
    %dma_start3A_7 = arith.constant 0 : i32
    %dma_start3A_8 = tpu.memref_slice %arg2[%dma_start3A_6, %dma_start3A_7] : memref<10000x128xf32, #tpu.memory_space<hbm>> -> memref<10000x128xf32, #tpu.memory_space<hbm>>
    tpu.enqueue_indirect_dma source(%dma_start3A_8 : memref<10000x128xf32, #tpu.memory_space<hbm>>) target(%arg9 : memref<112x128xf32, #tpu.memory_space<vmem>>) offsets(%dma_start3A_5 : memref<112xi32, #tpu.memory_space<vmem>>) semaphore(%arg12 : memref<!tpu.dma_semaphore, #tpu.memory_space<semaphore_mem>>)
    %barrier3A = arith.constant 0 : index
    tpu.barrier barrier_id(%barrier3A)
    %scan3A = arith.constant 0 : i32
    %scan3A_9 = arith.constant 45 : i32
    %scan3A_10 = arith.addi %scan3A, %scan3A_9 : i32
    %scan3A_11 = arith.constant 1 : i32
    scf.for %scan3A_21 = %scan3A to %scan3A_10 step %scan3A_11  : i32 {
      %mul3A_22 = arith.constant 2 : i32
      %mul3A_23 = arith.muli %mul3A_22, %scan3A_21 : i32
      %add3A_24 = arith.constant 1 : i32
      %add3A_25 = arith.addi %mul3A_23, %add3A_24 : i32
      %mul3A_26 = arith.constant 112 : i32
      %mul3A_27 = arith.muli %add3A_25, %mul3A_26 : i32
      %dma_start3A_28 = tpu.memref_slice %arg7[%mul3A_27] : memref<10080xi32, #tpu.memory_space<vmem>> -> memref<112xi32, #tpu.memory_space<vmem>>
      %dma_start3A_29 = arith.constant 0 : i32
      %dma_start3A_30 = arith.constant 0 : i32
      %dma_start3A_31 = tpu.memref_slice %arg2[%dma_start3A_29, %dma_start3A_30] : memref<10000x128xf32, #tpu.memory_space<hbm>> -> memref<10000x128xf32, #tpu.memory_space<hbm>>
      tpu.enqueue_indirect_dma source(%dma_start3A_31 : memref<10000x128xf32, #tpu.memory_space<hbm>>) target(%arg10 : memref<112x128xf32, #tpu.memory_space<vmem>>) offsets(%dma_start3A_28 : memref<112xi32, #tpu.memory_space<vmem>>) semaphore(%arg13 : memref<!tpu.dma_semaphore, #tpu.memory_space<semaphore_mem>>)
      %dma_wait3A = arith.constant 0 : i32
      %dma_wait3A_32 = tpu.memref_slice %arg7[%dma_wait3A] : memref<10080xi32, #tpu.memory_space<vmem>> -> memref<112xi32, #tpu.memory_space<vmem>>
      %dma_wait3A_33 = arith.constant 0 : i32
      %dma_wait3A_34 = arith.constant 0 : i32
      %dma_wait3A_35 = tpu.memref_slice %arg2[%dma_wait3A_33, %dma_wait3A_34] : memref<10000x128xf32, #tpu.memory_space<hbm>> -> memref<10000x128xf32, #tpu.memory_space<hbm>>
      tpu.wait_indirect_dma semaphore(%arg12 : memref<!tpu.dma_semaphore, #tpu.memory_space<semaphore_mem>>) src(%dma_wait3A_35 : memref<10000x128xf32, #tpu.memory_space<hbm>>) dst(%arg9 : memref<112x128xf32, #tpu.memory_space<vmem>>)
      %mul3A_36 = arith.constant 112 : i32
      %mul3A_37 = arith.muli %mul3A_23, %mul3A_36 : i32
      "tpu.region"() ({
        %run_scoped3A = tpu.sem_alloc : memref<!tpu.dma_semaphore, #tpu.memory_space<semaphore_mem>>
        %dma_start3A_48 = tpu.memref_slice %arg8[%mul3A_37] : memref<10080xi32, #tpu.memory_space<vmem>> -> memref<112xi32, #tpu.memory_space<vmem>>
        %dma_start3A_49 = arith.constant 0 : i32
        %dma_start3A_50 = arith.constant 0 : i32
        %dma_start3A_51 = tpu.memref_slice %arg11[%dma_start3A_49, %dma_start3A_50] : memref<10112x128xf32, #tpu.memory_space<vmem_shared>> -> memref<10112x128xf32, #tpu.memory_space<vmem_shared>>
        tpu.enqueue_indirect_dma source(%arg9 : memref<112x128xf32, #tpu.memory_space<vmem>>) target(%dma_start3A_51 : memref<10112x128xf32, #tpu.memory_space<vmem_shared>>) offsets(%dma_start3A_48 : memref<112xi32, #tpu.memory_space<vmem>>) semaphore(%run_scoped3A : memref<!tpu.dma_semaphore, #tpu.memory_space<semaphore_mem>>) {add = true}
        %dma_wait3A_52 = tpu.memref_slice %arg8[%mul3A_37] : memref<10080xi32, #tpu.memory_space<vmem>> -> memref<112xi32, #tpu.memory_space<vmem>>
        %dma_wait3A_53 = arith.constant 0 : i32
        %dma_wait3A_54 = arith.constant 0 : i32
        %dma_wait3A_55 = tpu.memref_slice %arg11[%dma_wait3A_53, %dma_wait3A_54] : memref<10112x128xf32, #tpu.memory_space<vmem_shared>> -> memref<10112x128xf32, #tpu.memory_space<vmem_shared>>
        tpu.wait_indirect_dma semaphore(%run_scoped3A : memref<!tpu.dma_semaphore, #tpu.memory_space<semaphore_mem>>) src(%arg9 : memref<112x128xf32, #tpu.memory_space<vmem>>) dst(%dma_wait3A_55 : memref<10112x128xf32, #tpu.memory_space<vmem_shared>>)
        tpu.yield
      }) : () -> ()
      %lt3A = arith.constant 44 : i32
      %lt3A_38 = arith.cmpi slt, %scan3A_21, %lt3A : i32
      %convert_element_type3A = arith.extui %lt3A_38 : i1 to i32
      %cond3A = arith.constant 0 : i32
      %cond3A_39 = arith.cmpi ne, %convert_element_type3A, %cond3A : i32
      scf.if %cond3A_39 {
        %add3A_48 = arith.constant 2 : i32
        %add3A_49 = arith.addi %mul3A_23, %add3A_48 : i32
        %mul3A_50 = arith.constant 112 : i32
        %mul3A_51 = arith.muli %add3A_49, %mul3A_50 : i32
        %dma_start3A_52 = tpu.memref_slice %arg7[%mul3A_51] : memref<10080xi32, #tpu.memory_space<vmem>> -> memref<112xi32, #tpu.memory_space<vmem>>
        %dma_start3A_53 = arith.constant 0 : i32
        %dma_start3A_54 = arith.constant 0 : i32
        %dma_start3A_55 = tpu.memref_slice %arg2[%dma_start3A_53, %dma_start3A_54] : memref<10000x128xf32, #tpu.memory_space<hbm>> -> memref<10000x128xf32, #tpu.memory_space<hbm>>
        tpu.enqueue_indirect_dma source(%dma_start3A_55 : memref<10000x128xf32, #tpu.memory_space<hbm>>) target(%arg9 : memref<112x128xf32, #tpu.memory_space<vmem>>) offsets(%dma_start3A_52 : memref<112xi32, #tpu.memory_space<vmem>>) semaphore(%arg12 : memref<!tpu.dma_semaphore, #tpu.memory_space<semaphore_mem>>)
      } else {
      }
      %dma_wait3A_40 = tpu.memref_slice %arg7[%mul3A_27] : memref<10080xi32, #tpu.memory_space<vmem>> -> memref<112xi32, #tpu.memory_space<vmem>>
      %dma_wait3A_41 = arith.constant 0 : i32
      %dma_wait3A_42 = arith.constant 0 : i32
      %dma_wait3A_43 = tpu.memref_slice %arg2[%dma_wait3A_41, %dma_wait3A_42] : memref<10000x128xf32, #tpu.memory_space<hbm>> -> memref<10000x128xf32, #tpu.memory_space<hbm>>
      tpu.wait_indirect_dma semaphore(%arg13 : memref<!tpu.dma_semaphore, #tpu.memory_space<semaphore_mem>>) src(%dma_wait3A_43 : memref<10000x128xf32, #tpu.memory_space<hbm>>) dst(%arg10 : memref<112x128xf32, #tpu.memory_space<vmem>>)
      %add3A_44 = arith.constant 1 : i32
      %add3A_45 = arith.addi %mul3A_23, %add3A_44 : i32
      %mul3A_46 = arith.constant 112 : i32
      %mul3A_47 = arith.muli %add3A_45, %mul3A_46 : i32
      "tpu.region"() ({
        %run_scoped3A = tpu.sem_alloc : memref<!tpu.dma_semaphore, #tpu.memory_space<semaphore_mem>>
        %dma_start3A_48 = tpu.memref_slice %arg8[%mul3A_47] : memref<10080xi32, #tpu.memory_space<vmem>> -> memref<112xi32, #tpu.memory_space<vmem>>
        %dma_start3A_49 = arith.constant 0 : i32
        %dma_start3A_50 = arith.constant 0 : i32
        %dma_start3A_51 = tpu.memref_slice %arg11[%dma_start3A_49, %dma_start3A_50] : memref<10112x128xf32, #tpu.memory_space<vmem_shared>> -> memref<10112x128xf32, #tpu.memory_space<vmem_shared>>
        tpu.enqueue_indirect_dma source(%arg10 : memref<112x128xf32, #tpu.memory_space<vmem>>) target(%dma_start3A_51 : memref<10112x128xf32, #tpu.memory_space<vmem_shared>>) offsets(%dma_start3A_48 : memref<112xi32, #tpu.memory_space<vmem>>) semaphore(%run_scoped3A : memref<!tpu.dma_semaphore, #tpu.memory_space<semaphore_mem>>) {add = true}
        %dma_wait3A_52 = tpu.memref_slice %arg8[%mul3A_47] : memref<10080xi32, #tpu.memory_space<vmem>> -> memref<112xi32, #tpu.memory_space<vmem>>
        %dma_wait3A_53 = arith.constant 0 : i32
        %dma_wait3A_54 = arith.constant 0 : i32
        %dma_wait3A_55 = tpu.memref_slice %arg11[%dma_wait3A_53, %dma_wait3A_54] : memref<10112x128xf32, #tpu.memory_space<vmem_shared>> -> memref<10112x128xf32, #tpu.memory_space<vmem_shared>>
        tpu.wait_indirect_dma semaphore(%run_scoped3A : memref<!tpu.dma_semaphore, #tpu.memory_space<semaphore_mem>>) src(%arg10 : memref<112x128xf32, #tpu.memory_space<vmem>>) dst(%dma_wait3A_55 : memref<10112x128xf32, #tpu.memory_space<vmem_shared>>)
        tpu.yield
      }) : () -> ()
    }
    %scan3A_12 = arith.constant 45 : i32
    %barrier3A_13 = arith.constant 0 : index
    tpu.barrier barrier_id(%barrier3A_13)
    %mul3A_14 = arith.constant 632 : i32
    %mul3A_15 = arith.muli %arg1, %mul3A_14 : i32
    %mul3A_16 = arith.constant 10112 : i32
    %mul3A_17 = arith.muli %arg0, %mul3A_16 : i32
    %mul3A_18 = arith.constant 632 : i32
    %mul3A_19 = arith.muli %arg1, %mul3A_18 : i32
    %add3A_20 = arith.addi %mul3A_17, %mul3A_19 : i32
    "tpu.region"() ({
      %run_scoped3A = tpu.sem_alloc : memref<!tpu.dma_semaphore, #tpu.memory_space<semaphore_mem>>
      %dma_start3A_21 = arith.constant 0 : i32
      %dma_start3A_22 = tpu.memref_slice %arg6[%add3A_20, %dma_start3A_21] : memref<20224x128xf32, #tpu.memory_space<hbm>> -> memref<632x128xf32, #tpu.memory_space<hbm>>
      %dma_start3A_23 = arith.constant 0 : i32
      %dma_start3A_24 = tpu.memref_slice %arg11[%mul3A_15, %dma_start3A_23] : memref<10112x128xf32, #tpu.memory_space<vmem_shared>> -> memref<632x128xf32, #tpu.memory_space<vmem_shared>>
      tpu.enqueue_dma source(%dma_start3A_24 : memref<632x128xf32, #tpu.memory_space<vmem_shared>>) target(%dma_start3A_22 : memref<632x128xf32, #tpu.memory_space<hbm>>) target_semaphore(%run_scoped3A : memref<!tpu.dma_semaphore, #tpu.memory_space<semaphore_mem>>)
      %dma_wait3A = arith.constant 0 : i32
      %dma_wait3A_25 = tpu.memref_slice %arg6[%add3A_20, %dma_wait3A] : memref<20224x128xf32, #tpu.memory_space<hbm>> -> memref<632x128xf32, #tpu.memory_space<hbm>>
      %dma_wait3A_26 = arith.constant 0 : i32
      %dma_wait3A_27 = tpu.memref_slice %arg11[%mul3A_15, %dma_wait3A_26] : memref<10112x128xf32, #tpu.memory_space<vmem_shared>> -> memref<632x128xf32, #tpu.memory_space<vmem_shared>>
      tpu.wait_dma2 semaphore(%run_scoped3A : memref<!tpu.dma_semaphore, #tpu.memory_space<semaphore_mem>>) src(%dma_wait3A_27 : memref<632x128xf32, #tpu.memory_space<vmem_shared>>) dst(%dma_wait3A_25 : memref<632x128xf32, #tpu.memory_space<hbm>>)
      tpu.yield
    }) : () -> ()
    return
  }
}

module attributes {stable_mosaic.version = 14 : i64} {
  func.func @_post_body(%arg0: i32, %arg1: memref<2x1000x128xf32, #tpu.memory_space<vmem>>, %arg2: memref<128x128xf32, #tpu.memory_space<vmem>>, %arg3: memref<1x128xf32, #tpu.memory_space<vmem>>, %arg4: memref<1000x128xf32, #tpu.memory_space<vmem>>) attributes {dimension_semantics = [#tpu.dimension_semantics<arbitrary>], iteration_bounds = array<i64: 10>, scalar_prefetch = 0 : i64, scratch_operands = 0 : i64, tpu.core_type = #tpu.core_type<tc>, window_params = [{transform_indices = @transform_0, window_bounds = array<i64: 2, 1000, 128>}, {pipeline_mode = #tpu.pipeline_mode<synchronous>, transform_indices = @transform_1, window_bounds = array<i64: 128, 128>}, {pipeline_mode = #tpu.pipeline_mode<synchronous>, transform_indices = @transform_2, window_bounds = array<i64: 1, 128>}, {transform_indices = @transform_3, window_bounds = array<i64: 1000, 128>}]} {
    %get3A = arith.constant 0 : index
    %get3A_0 = arith.constant 0 : index
    %get3A_1 = arith.constant 0 : index
    %get3A_2 = vector.load %arg1[%get3A, %get3A_0, %get3A_1] : memref<2x1000x128xf32, #tpu.memory_space<vmem>>, vector<1x1000x128xf32>
    %get3A_3 = vector.shape_cast %get3A_2 : vector<1x1000x128xf32> to vector<1000x128xf32>
    %get3A_4 = arith.constant 1 : index
    %get3A_5 = arith.constant 0 : index
    %get3A_6 = arith.constant 0 : index
    %get3A_7 = vector.load %arg1[%get3A_4, %get3A_5, %get3A_6] : memref<2x1000x128xf32, #tpu.memory_space<vmem>>, vector<1x1000x128xf32>
    %get3A_8 = vector.shape_cast %get3A_7 : vector<1x1000x128xf32> to vector<1000x128xf32>
    %add3A = arith.addf %get3A_3, %get3A_8 : vector<1000x128xf32>
    %get3A_9 = arith.constant 0 : index
    %get3A_10 = arith.constant 0 : index
    %get3A_11 = vector.load %arg2[%get3A_9, %get3A_10] : memref<128x128xf32, #tpu.memory_space<vmem>>, vector<128x128xf32>
    %dot_general3A = arith.constant dense<0.000000e+00> : vector<1000x128xf32>
    %dot_general3A_12 = tpu.matmul %add3A, %get3A_11, %dot_general3A {dimension_numbers = #tpu.dot_dimension_numbers<[1], [0], [0], [1], [0, 0, 1, 1], [], []>, transpose_lhs_hint = false} : vector<1000x128xf32>, vector<128x128xf32>, vector<1000x128xf32> -> vector<1000x128xf32>
    %get3A_13 = arith.constant 0 : index
    %get3A_14 = arith.constant 0 : index
    %get3A_15 = vector.load %arg3[%get3A_13, %get3A_14] : memref<1x128xf32, #tpu.memory_space<vmem>>, vector<1x128xf32>
    %add3A_16 = vector.broadcast %get3A_15 : vector<1x128xf32> to vector<1000x128xf32>
    %add3A_17 = arith.addf %dot_general3A_12, %add3A_16 : vector<1000x128xf32>
    %max3A = arith.constant 0.000000e+00 : f32
    %max3A_18 = vector.broadcast %max3A : f32 to vector<1000x128xf32>
    %max3A_19 = arith.maximumf %add3A_17, %max3A_18 : vector<1000x128xf32>
    %swap3A = arith.constant 0 : index
    %swap3A_20 = arith.constant 0 : index
    %swap3A_21 = vector.load %arg4[%swap3A, %swap3A_20] : memref<1000x128xf32, #tpu.memory_space<vmem>>, vector<1000x128xf32>
    tpu.vector_store %arg4[%swap3A, %swap3A_20], %max3A_19 {strides = array<i32>} : memref<1000x128xf32, #tpu.memory_space<vmem>>, vector<1000x128xf32>,
    return
  }
  func.func @transform_0(%arg0: i32) -> (i32, i32, i32) {
    %c0_i32 = arith.constant 0 : i32
    %c0_i32_0 = arith.constant 0 : i32
    %c0_i32_1 = arith.constant 0 : i32
    return %c0_i32, %arg0, %c0_i32_0 : i32, i32, i32
  }
  func.func @transform_1(%arg0: i32) -> (i32, i32) {
    %c0_i32 = arith.constant 0 : i32
    %c0_i32_0 = arith.constant 0 : i32
    %c0_i32_1 = arith.constant 0 : i32
    return %c0_i32, %c0_i32_0 : i32, i32
  }
  func.func @transform_2(%arg0: i32) -> (i32, i32) {
    %c0_i32 = arith.constant 0 : i32
    %c0_i32_0 = arith.constant 0 : i32
    %c0_i32_1 = arith.constant 0 : i32
    return %c0_i32, %c0_i32_0 : i32, i32
  }
  func.func @transform_3(%arg0: i32) -> (i32, i32) {
    %c0_i32 = arith.constant 0 : i32
    %c0_i32_0 = arith.constant 0 : i32
    return %arg0, %c0_i32 : i32, i32
  }
}

module attributes {stable_mosaic.version = 14 : i64} {
  func.func @_post_body(%arg0: i32, %arg1: memref<2x1000x128xf32, #tpu.memory_space<vmem>>, %arg2: memref<128x128xf32, #tpu.memory_space<vmem>>, %arg3: memref<1x128xf32, #tpu.memory_space<vmem>>, %arg4: memref<1000x128xf32, #tpu.memory_space<vmem>>) attributes {dimension_semantics = [#tpu.dimension_semantics<arbitrary>], iteration_bounds = array<i64: 10>, scalar_prefetch = 0 : i64, scratch_operands = 0 : i64, tpu.core_type = #tpu.core_type<tc>, window_params = [{transform_indices = @transform_0, window_bounds = array<i64: 2, 1000, 128>}, {pipeline_mode = #tpu.pipeline_mode<synchronous>, transform_indices = @transform_1, window_bounds = array<i64: 128, 128>}, {pipeline_mode = #tpu.pipeline_mode<synchronous>, transform_indices = @transform_2, window_bounds = array<i64: 1, 128>}, {transform_indices = @transform_3, window_bounds = array<i64: 1000, 128>}]} {
    %get3A = arith.constant 0 : index
    %get3A_0 = arith.constant 0 : index
    %get3A_1 = arith.constant 0 : index
    %get3A_2 = vector.load %arg1[%get3A, %get3A_0, %get3A_1] : memref<2x1000x128xf32, #tpu.memory_space<vmem>>, vector<1x1000x128xf32>
    %get3A_3 = vector.shape_cast %get3A_2 : vector<1x1000x128xf32> to vector<1000x128xf32>
    %get3A_4 = arith.constant 1 : index
    %get3A_5 = arith.constant 0 : index
    %get3A_6 = arith.constant 0 : index
    %get3A_7 = vector.load %arg1[%get3A_4, %get3A_5, %get3A_6] : memref<2x1000x128xf32, #tpu.memory_space<vmem>>, vector<1x1000x128xf32>
    %get3A_8 = vector.shape_cast %get3A_7 : vector<1x1000x128xf32> to vector<1000x128xf32>
    %add3A = arith.addf %get3A_3, %get3A_8 : vector<1000x128xf32>
    %get3A_9 = arith.constant 0 : index
    %get3A_10 = arith.constant 0 : index
    %get3A_11 = vector.load %arg2[%get3A_9, %get3A_10] : memref<128x128xf32, #tpu.memory_space<vmem>>, vector<128x128xf32>
    %dot_general3A = arith.constant dense<0.000000e+00> : vector<1000x128xf32>
    %dot_general3A_12 = tpu.matmul %add3A, %get3A_11, %dot_general3A {dimension_numbers = #tpu.dot_dimension_numbers<[1], [0], [0], [1], [0, 0, 1, 1], [], []>, transpose_lhs_hint = false} : vector<1000x128xf32>, vector<128x128xf32>, vector<1000x128xf32> -> vector<1000x128xf32>
    %get3A_13 = arith.constant 0 : index
    %get3A_14 = arith.constant 0 : index
    %get3A_15 = vector.load %arg3[%get3A_13, %get3A_14] : memref<1x128xf32, #tpu.memory_space<vmem>>, vector<1x128xf32>
    %add3A_16 = vector.broadcast %get3A_15 : vector<1x128xf32> to vector<1000x128xf32>
    %add3A_17 = arith.addf %dot_general3A_12, %add3A_16 : vector<1000x128xf32>
    %swap3A = arith.constant 0 : index
    %swap3A_18 = arith.constant 0 : index
    %swap3A_19 = vector.load %arg4[%swap3A, %swap3A_18] : memref<1000x128xf32, #tpu.memory_space<vmem>>, vector<1000x128xf32>
    tpu.vector_store %arg4[%swap3A, %swap3A_18], %add3A_17 {strides = array<i32>} : memref<1000x128xf32, #tpu.memory_space<vmem>>, vector<1000x128xf32>,
    return
  }
  func.func @transform_0(%arg0: i32) -> (i32, i32, i32) {
    %c0_i32 = arith.constant 0 : i32
    %c0_i32_0 = arith.constant 0 : i32
    %c0_i32_1 = arith.constant 0 : i32
    return %c0_i32, %arg0, %c0_i32_0 : i32, i32, i32
  }
  func.func @transform_1(%arg0: i32) -> (i32, i32) {
    %c0_i32 = arith.constant 0 : i32
    %c0_i32_0 = arith.constant 0 : i32
    %c0_i32_1 = arith.constant 0 : i32
    return %c0_i32, %c0_i32_0 : i32, i32
  }
  func.func @transform_2(%arg0: i32) -> (i32, i32) {
    %c0_i32 = arith.constant 0 : i32
    %c0_i32_0 = arith.constant 0 : i32
    %c0_i32_1 = arith.constant 0 : i32
    return %c0_i32, %c0_i32_0 : i32, i32
  }
  func.func @transform_3(%arg0: i32) -> (i32, i32) {
    %c0_i32 = arith.constant 0 : i32
    %c0_i32_0 = arith.constant 0 : i32
    return %arg0, %c0_i32 : i32, i32
  }
}

</mosaic_0001>

<sc_bundles>
// kernel: kernel.11.cloned.1.call-start
scs
__scs_entry_jumppad:
0x0: {  	(pc) =	sbr.rel $0x88, $3  }
0x1: {  	(tag) =	ssettag $0x0;
	lr =	simm.s32 $0x1  }
0x2: {  	[smem:$0x3F99] =	sst lr;
	_ =	strace $0xD0000000  }
0x3: {  	_ = 	snop  }
0x4: {  	_ = 	snop  }
0x5: {  	_ = 	snop  }
0x6: {  	_ = 	snop  }
0x7: {  	_ = 	snop  }
__scs_overlays_trampoline_lowered:
0x8: {  	[smem:$0x3FA8] =	sst s0  }
0x9: {  	[smem:$0x3FA9] =	sst s1  }
0xa: {  	[smem:$0x3FAA] =	sst s2  }
0xb: {  	[smem:$0x3FAB] =	sst s3  }
0xc: {  	[smem:$0x3FAC] =	sst s4  }
0xd: {  	[smem:$0x3FAD] =	sst s5  }
0xe: {  	[smem:$0x3FAE] =	sst s6  }
0xf: {  	[smem:$0x3FAF] =	sst s7  }
0x10: {  	[smem:$0x3FB0] =	sst s8  }
0x11: {  	[smem:$0x3FB1] =	sst s9;
	s0 =	simm.s32 @!p0 $0x0  }
0x12: {  	s1 =	sld [smem:$0x3F97];
	s0 =	simm.s32 @p0 $0x1  }
0x13: {  	[smem:$0x3FB2] =	sst s0;
	s0 =	simm.s32 @!p1 $0x0  }
0x14: {  	s2 =	sld [smem:$0x3F96];
	s0 =	simm.s32 @p1 $0x1  }
0x15: {  	[smem:$0x3FB3] =	sst s0;
	s0 =	simm.s32 @!p2 $0x0  }
0x16: {  	s3 =	sld [smem:$0x3FDB];
	s0 =	simm.s32 @p2 $0x1  }
0x17: {  	s4 =	simm.s32 $0x1BF5;
	[smem:$0x3FB5] =	sst s0  }
0x18: {  	s0 =	sld [smem:$0x3F98];
	_ =	swait.ge [sflag:s4], $0x0  }
0x19: {  	s7 =	sld [smem:$0x3F99]  }
0x1a: {  	s8 =	sadd.s32 $0xFFFFE003, lr  }
0x1b: {  	s9 =	sadd.s32 $0xFFFFFEF7, lr;
	s5 =	simm.s32 $0xFFFFFFFF;
	p2 =	slt.u32 s8, $0xFFFFF086  }
0x1c: {  	p1 =	slt.u32 s9, $0xF7A;
	s5 =	simm.s32 @!p2 $0x0  }
0x1d: {  	s5 =	simm.s32 @p1 $0x1;
	p0 =	seq.s32 s7, s2  }
0x1e: {  	s7 =	smul.u32 @!p0 $0xF7A, s2;
	p2 =	seq.s32 @!p0 s5, $0x0  }
0x1f: {  	s9 =	smul.u32 $0xF7A, s1;
	s8 =	simm.s32 @!p0 $0x1BF5;
	p2 =	por !p2, p0  }
0x20: {  	[sflag:s8] =	ssyncset.s32 @!p0 $0xFFFFF086;
	s6 =	sadd.s32 @!p0 s3, s7;
	s7 =	simm.s32 @!p0 $0x108  }
0x21: {  	s3 =	sadd.s32 s3, s9;
	s6 =	sadd.s32 @!p0 $0x88, s6;
	s7 =	simm.s32 @p2 $0x1082  }
0x22: {  	[simem:s7], [sflag:s8] =	dma.local @!p0 [hbm:s6], $0xF7A  }
0x23: {  	s9 =	sor.u32 $0xD0000000, s2;
	s6 =	simm.s32 $0x108;
	_ =	swait.ge @!p0 [sflag:s8], $0x0  }
0x24: {  	s3 =	sadd.s32 $0x88, s3;
	s6 =	simm.s32 @!p1 $0x1082;
	[sflag:s4] =	ssyncset.s32 $0xFFFFF086  }
0x25: {  	[simem:s6], [sflag:s4] =	dma.local [hbm:s3], $0xF7A  }
0x26: {  	[smem:$0x3F99] =	sst s1;
	(tag) =	ssettag s2;
	_ =	strace s9  }
0x27: {  	s1 =	sld [smem:$0x3FA9]  }
0x28: {  	s2 =	sld [smem:$0x3FAA]  }
0x29: {  	s4 =	sld [smem:$0x3FAC]  }
0x2a: {  	p0 =	seq.s32 s5, $0x0;
	s5 =	sld [smem:$0x3FAD]  }
0x2b: {  	s6 =	sld [smem:$0x3FAE]  }
0x2c: {  	s7 =	sld [smem:$0x3FAF]  }
0x2d: {  	s3 =	simm.s32 $0x108;
	s8 =	sld [smem:$0x3FB0]  }
0x2e: {  	s3 =	simm.s32 @!p0 $0x1082;
	s9 =	sld [smem:$0x3FB1]  }
0x2f: {  	lr =	sadd.s32 s0, s3;
	s0 =	sld [smem:$0x3FA8]  }
0x30: {  	s3 =	sld [smem:$0x3FAB]  }
0x31: {  	[smem:$0x3FB4] =	sst s10  }
0x32: {  	s10 =	sld [smem:$0x3FB2];
	_ =	sdelay $0x3  }
0x33: {  	p0 =	seq.s32 s10, $0x1;
	s10 =	sld [smem:$0x3FB4];
	_ =	sdelay $0x3  }
0x34: {  	[smem:$0x3FB4] =	sst s10  }
0x35: {  	s10 =	sld [smem:$0x3FB3];
	_ =	sdelay $0x3  }
0x36: {  	p1 =	seq.s32 s10, $0x1;
	s10 =	sld [smem:$0x3FB4];
	_ =	sdelay $0x3  }
0x37: {  	[smem:$0x3FB4] =	sst s10  }
0x38: {  	s10 =	sld [smem:$0x3FB5]  }
0x39: {  	_ = 	snop;
	(pc) =	sbr.ind lr, $3  }
0x3a: {  	_ = 	snop  }
0x3b: {  	_ = 	snop  }
0x3c: {  	p2 =	seq.s32 s10, $0x1;
	s10 =	sld [smem:$0x3FB4]  }
0x3d: {  	_ =	shalt  }
0x3e: {  	_ =	shalt  }
0x3f: {  	_ =	shalt  }
0x40: {  	_ =	shalt  }
0x41: {  	_ =	shalt  }
0x42: {  	_ =	shalt  }
0x43: {  	_ =	shalt  }
0x44: {  	_ =	shalt  }
0x45: {  	_ =	shalt  }
0x46: {  	_ =	shalt  }
0x47: {  	_ =	shalt  }
0x48: {  	_ =	shalt  }
0x49: {  	_ =	shalt  }
0x4a: {  	_ =	shalt  }
0x4b: {  	_ =	shalt  }
0x4c: {  	_ =	shalt  }
0x4d: {  	_ =	shalt  }
0x4e: {  	_ =	shalt  }
0x4f: {  	_ =	shalt  }
0x50: {  	_ =	shalt  }
0x51: {  	_ =	shalt  }
0x52: {  	_ =	shalt  }
0x53: {  	_ =	shalt  }
0x54: {  	_ =	shalt  }
0x55: {  	_ =	shalt  }
0x56: {  	_ =	shalt  }
0x57: {  	_ =	shalt  }
0x58: {  	_ =	shalt  }
0x59: {  	_ =	shalt  }
0x5a: {  	_ =	shalt  }
0x5b: {  	_ =	shalt  }
0x5c: {  	_ =	shalt  }
0x5d: {  	_ =	shalt  }
0x5e: {  	_ =	shalt  }
0x5f: {  	_ =	shalt  }
0x60: {  	_ =	shalt  }
0x61: {  	_ =	shalt  }
0x62: {  	_ =	shalt  }
0x63: {  	_ =	shalt  }
0x64: {  	_ =	shalt  }
0x65: {  	_ =	shalt  }
0x66: {  	_ =	shalt  }
0x67: {  	_ =	shalt  }
0x68: {  	_ =	shalt  }
0x69: {  	_ =	shalt  }
0x6a: {  	_ =	shalt  }
0x6b: {  	_ =	shalt  }
0x6c: {  	_ =	shalt  }
0x6d: {  	_ =	shalt  }
0x6e: {  	_ =	shalt  }
0x6f: {  	_ =	shalt  }
0x70: {  	_ =	shalt  }
0x71: {  	_ =	shalt  }
0x72: {  	_ =	shalt  }
0x73: {  	_ =	shalt  }
0x74: {  	_ =	shalt  }
0x75: {  	_ =	shalt  }
0x76: {  	_ =	shalt  }
0x77: {  	_ =	shalt  }
0x78: {  	_ =	shalt  }
0x79: {  	_ =	shalt  }
0x7a: {  	_ =	shalt  }
0x7b: {  	_ =	shalt  }
0x7c: {  	_ =	shalt  }
0x7d: {  	_ =	shalt  }
0x7e: {  	_ =	shalt  }
0x7f: {  	_ =	shalt  }
0x80: {  	_ =	shalt  }
0x81: {  	_ =	shalt  }
0x82: {  	_ =	shalt  }
0x83: {  	_ =	shalt  }
0x84: {  	_ =	shalt  }
0x85: {  	_ =	shalt  }
0x86: {  	_ =	shalt  }
0x87: {  	_ =	shalt  }
.Lfunc_end0:
.L_simem_size_0:
called_computation.1_lowered:
.L_overlay_start_0:
0x88: {  	s2 =	sld [smem:$0x3FD9]  }
0x89: {  	s3 =	sld [smem:$0x3FFE];
	_ =	sdelay $0x1  }
0x8a: {  	s1 =	srdreg.scid  }
0x8b: {  	s0 =	sand.u32 $0x1, s1  }
0x8c: {  	s17 =	sshll.u32 s0, $0xA;
	s2 =	sadd.s32 s3, s2  }
0x8d: {  	s2 =	sadd.s32 s2, s17  }
0x8e: {  	[smem:$0x3FC0] =	sst s2  }
0x8f: {  	_ = 	snop  }
0x90: {  	s2 =	sld [smem:$0x3FD0];
	(tm) =	ssettm $0x1  }
0x91: {  	s18 =	sld [smem:$0x3FFB];
	_ =	sdelay $0x3  }
0x92: {  	_ =	strace s18  }
0x93: {  	s3 =	sld [smem:$0x3FFC];
	_ =	sdelay $0x3  }
0x94: {  	_ =	strace s3  }
0x95: {  	s3 =	sld [smem:$0x3FFD];
	_ =	sdelay $0x3  }
0x96: {  	_ =	strace s3  }
0x97: {  	_ =	strace $0x8FFFFFFF  }
0x98: {  	s19 =	sld [smem:$0x3FDB];
	_ =	sdelay $0x1  }
0x99: {  	s4 =	simm.s32 $_scs_section_size  }
0x9a: {  	s5 =	simm.s32 $_size__tile_overlayer_lowered;
	s6 =	simm.s32 $_tile_overlayer_lowered  }
0x9b: {  	s22 =	simm.s32 $0x1BFF;
	s21 =	sshll.u32 s6, $0x1;
	s3 =	sadd.s32 s4, s19  }
0x9c: {  	s7 =	simm.s32 $0x0;
	s20 =	sshll.u32 s5, $0x1;
	s5 =	sadd.s32 s21, s3  }
0x9d: {  	[timem:s7], [sflag:s22] =	dma.local [hbm:s5], s20  }
0x9e: {  	_ =	swait.ge [sflag:s22], s20  }
0x9f: {  	s4 =	ssub.s32 $0x0, s20;
	[sflag:s22] =	ssyncset.done $0x0  }
0xa0: {  	[sflag:s22] =	ssyncadd.s32 s4;
	_ =	sdelay $0x1  }
0xa1: {  	s23 =	simm.s32 $0x1B8B  }
0xa2: {  	_ =	swait.ge [sflag:s23], $0x1  }
0xa3: {  	[sflag:s23] =	ssyncset.done $0x0  }
0xa4: {  	s25 =	simm.s32 $0x1B8E;
	s24 =	sld [smem:$0x3FFE];
	[sflag:s23] =	ssyncadd.s32 $0xFFFFFFFF  }
0xa5: {  	s26 =	simm.s32 $execute0_lowered;
	[smem:$0x3FD2] =	sst s25  }
0xa6: {  	s5 =	sshll.u32 s26, $0x1;
	_ =	strace $0x80000049;
	[dreg:$0x1] =	wrdreg $0xFFFFFFFF  }
0xa7: {  	s28 =	simm.s32 $_size_execute0_lowered;
	s3 =	sadd.s32 s3, s5;
	[dreg:$0x0] =	wrdreg $0x0  }
0xa8: {  	s5 =	sshll.u32 s28, $0x1;
	[dreg:$0x2] =	wrdreg s3  }
0xa9: {  	[dreg:$0x3] =	wrdreg s5  }
0xaa: {  	[dreg:$0x4] =	wrdreg $0xC0  }
0xab: {  	_ =	task [dreg:s7], $0x5FFFF  }
0xac: {  	[dreg:$0x1] =	wrdreg $0xFFFFFFFF  }
0xad: {  	[dreg:$0x0] =	wrdreg $0x60  }
0xae: {  	[dreg:$0x2] =	wrdreg s2  }
0xaf: {  	[dreg:$0x3] =	wrdreg s24  }
0xb0: {  	[dreg:$0x4] =	wrdreg $0xBF000  }
0xb1: {  	[dreg:$0x5] =	wrdreg $0x9  }
0xb2: {  	_ =	task.clear_ibuf [dreg:s7], $0x6FFFF;
	_ =	strace $0x90000049  }
0xb3: {  	s29 =	simm.s32 $0x9;
	_ =	strace $0x8000004B  }
0xb4: {  	_ =	swait.ge [sflag:s29], $0x1  }
0xb5: {  	[sflag:s29] =	ssyncadd.s32 $0xFFFFFFFF  }
0xb6: {  	_ =	strace $0x9000004B  }
0xb7: {  	_ =	sfence  }
0xb8: {  	s30 =	sld [smem:$0x0];
	_ =	sdelay $0x2  }
0xb9: {  	s31 =	sshll.u32 s1, $0xD;
	s1 =	sshrl.u32 s1, $0x2  }
0xba: {  	s3 =	sand.u32 $0x4000, s31;
	s1 =	sadd.s32 s1, s30  }
0xbb: {  	s0 =	sor.u32 s3, s0;
	s1 =	sshll.u32 s1, $0x11  }
0xbc: {  	s0 =	sor.u32 s1, s0  }
0xbd: {  	s0 =	sadd.s32 $0x8F2B, s0  }
0xbe: {  	[sflag:s0] =	ssyncadd.remote.s32 $0x1  }
0xbf: {  	_ =	sfence.sel $0xFFFF  }
0xc0: {  	[dreg:$0x0] =	wrdreg $0xFFFFFFFF;
	(pc) =	sbr.abs _section_cstart, $3  }
0xc1: {  	[dreg:$0x1] =	wrdreg $0xFFFFFFFF  }
0xc2: {  	_ =	task.clear_ibuf [dreg:s7], $0x2FFFF;
	_ =	strace $0x9FFFFFFF  }
0xc3: {  	(tm) =	ssettm $0x7FFFFFFF  }
tec
execute0_lowered:
.L_overlay_start_1:
0x0: {  	(tag) =	ssettag $0x1  }
0x1: {  	s1 =	rddreg [dreg:$0x0]  }
0x2: {  	s6 =	rddreg [dreg:$0x1]  }
0x3: {  	s0 =	srdreg.scid;
	s3 =	rddreg [dreg:$0x2]  }
0x4: {  	s4 =	simm.s32 $0x0;
	s14 =	simm.s32 $0x70;
	s15 =	simm.s32 $0x4F00  }
0x5: {  	s16 =	simm.s32 $0x8700;
	s17 =	simm.s32 $0x1;
	s18 =	simm.s32 $0x2  }
0x6: {  	s19 =	simm.s32 $0x26F0;
	s5 =	sand.u32 $0x1, s0;
	s0 =	stileid.u32  }
0x7: {  	s20 =	simm.s32 $0x4E00;
	s21 =	simm.s32 $0x4E70;
	s8 =	smul.u32 $0x2780, s0  }
0x8: {  	s22 =	simm.s32 $0x0;
	[smem:$0x7FF] =	sst s4;
	s9 =	smul.u32 $0x27800, s5  }
0x9: {  	s2 =	sshll.u32 s5, $0x4;
	s26 =	ssub.s32 $0x2, s5;
	s28 =	smul.u32 $0x4F000, s0  }
0xa: {  	s5 =	sadd.s32 $0x15600, s6;
	s31 =	sshll.u32 s0, $0x6;
	s2 =	sor.u32 s0, s2  }
0xb: {  	s29 =	sshrl.u32 s26, $0x1;
	s7 =	smul.u32 $0x4EC, s2;
	s2 =	rddreg [dreg:$0x3]  }
0xc: {  	_ =	strace $0x8000004A;
	s25 =	sadd.s32 s8, s9;
	s30 =	sshrl.u32 s28, $0x2  }
0xd: {  	s12 =	ssub.s32 s26, s29;
	s11 =	sadd.s32 s25, s6;
	s13 =	sadd.s32 s30, s3  }
0xe: {  	s10 =	sadd.s32 s7, s6;
	s6 =	sor.u32 $0x1C03, s31;
	s9 =	sadd.s32 $0x17E00, s11  }
0xf: {  	s11 =	sshrl.u32 s13, $0x3;
	s13 =	simm.s32 $0x2780;
	s7 =	sadd.s32 $0xB800, s10  }
0x10: {  	s8 =	sadd.s32 $0x1A00, s10;
	s10 =	smax.u32 s12, $0x1;
	s12 =	simm.s32 $0x3  }
.LBB2_1:
0x11: {  	[spmem:s11], [sflag:s6] =	dma.local [hbm:s5], $0x2780  }
0x12: {  	_ =	swait.ge [sflag:s12], $0x2780  }
0x13: {  	[sflag:s12] =	ssyncset.done $0x0  }
0x14: {  	[sflag:s12] =	ssyncadd.s32 $0xFFFFD880  }
0x15: {  	[tilespmem:s4], [sflag:$0x3] =	stream.linear.gather [hbm4b:s7+s4], $0x2760, $0x38;
	[tilespmem:$0x1FB00] =	vst v63  }
0x16: {  	_ =	swait.ge [sflag:s12], $0x2760  }
0x17: {  	[sflag:s12] =	ssyncset.done $0x0  }
0x18: {  	[sflag:s12] =	ssyncadd.s32 $0xFFFFD8A0  }
0x19: {  	[tilespmem:s13], [sflag:$0x3] =	stream.linear.gather [hbm4b:s8+s4], $0x2760, $0x38;
	[tilespmem:$0x1FB00] =	vst v63  }
0x1a: {  	_ =	swait.ge [sflag:s12], $0x2760  }
0x1b: {  	[sflag:s12] =	ssyncset.done $0x0  }
0x1c: {  	[sflag:s12] =	ssyncadd.s32 $0xFFFFD8A0  }
0x1d: {  	[tilespmem:s15], [sflag:$0x1] =	stream.indirect.gather [hbm4b:s1+s14], $0x80, s4, s14, $0xb8;
	[tilespmem:$0x1FB00] =	vst v63  }
0x1e: {  	s23 =	simm.s32 $0x70;
	[bflag:$0x0] =	sbarrier.arrive $0xFFFF  }
0x1f: {  	[tilespmem:s16], [sflag:$0x2] =	stream.indirect.gather [hbm4b:s1+s14], $0x80, s23, s14, $0xb8;
	[tilespmem:$0x1FB00] =	vst v63  }
0x20: {  	_ =	swait.ge [sflag:s17], $0x3800  }
0x21: {  	[sflag:s17] =	ssyncset.done $0x0  }
0x22: {  	s29 =	simm.s32 $0x2780;
	[sflag:s17] =	ssyncadd.s32 $0xFFFFC800  }
0x23: {  	[spmem:s3] =	stream.indirect.scatter.add.f32 [tilespmem:s15], [sflag:$0x3], $0x80, s29, s14, $0xb8;
	[tilespmem:$0x1FB00] =	vst v63  }
0x24: {  	_ =	swait.ge [sflag:s12], $0x3800  }
0x25: {  	[sflag:s12] =	ssyncset.done $0x0  }
0x26: {  	s30 =	simm.s32 $0xE0;
	[sflag:s12] =	ssyncadd.s32 $0xFFFFC800  }
0x27: {  	[tilespmem:s15], [sflag:$0x1] =	stream.indirect.gather [hbm4b:s1+s14], $0x80, s30, s14, $0xb8;
	[tilespmem:$0x1FB00] =	vst v63  }
0x28: {  	_ =	swait.ge [sflag:s18], $0x3800  }
0x29: {  	[sflag:s18] =	ssyncset.done $0x0  }
0x2a: {  	s31 =	simm.s32 $0x27F0;
	[sflag:s18] =	ssyncadd.s32 $0xFFFFC800  }
0x2b: {  	[spmem:s3] =	stream.indirect.scatter.add.f32 [tilespmem:s16], [sflag:$0x3], $0x80, s31, s14, $0xb8;
	[tilespmem:$0x1FB00] =	vst v63  }
0x2c: {  	_ =	swait.ge [sflag:s12], $0x3800  }
0x2d: {  	s24 =	simm.s32 $0x700;
	s23 =	simm.s32 $0xE0;
	[sflag:s12] =	ssyncset.done $0x0  }
.LBB2_2:
0x2e: {  	s25 =	sadd.s32 $0x70, s23  }
0x2f: {  	[sflag:s12] =	ssyncadd.s32 $0xFFFFC800;
	s26 =	smov.u32 s24;
	s28 =	sadd.s32 $0x380, s24  }
0x30: {  	[tilespmem:s16], [sflag:$0x2] =	stream.indirect.gather [hbm4b:s1+s14], $0x80, s25, s14, $0xb8;
	[tilespmem:$0x1FB00] =	vst v63  }
0x31: {  	p0 =	sne.s32 s24, $0x9680;
	_ =	swait.ge [sflag:s17], $0x3800  }
0x32: {  	[sflag:s17] =	ssyncset.done $0x0  }
0x33: {  	s24 =	sadd.s32 $0x2780, s23;
	[sflag:s17] =	ssyncadd.s32 $0xFFFFC800  }
0x34: {  	[spmem:s3] =	stream.indirect.scatter.add.f32 [tilespmem:s15], [sflag:$0x3], $0x80, s24, s14, $0xb8;
	[tilespmem:$0x1FB00] =	vst v63  }
0x35: {  	_ =	swait.ge [sflag:s12], $0x3800  }
0x36: {  	[sflag:s12] =	ssyncset.done $0x0  }
0x37: {  	s24 =	sadd.s32 $0xE0, s23;
	[sflag:s12] =	ssyncadd.s32 $0xFFFFC800  }
0x38: {  	[tilespmem:s15], [sflag:$0x1] =	stream.indirect.gather [hbm4b:s1+s14], $0x80, s24, s14, $0xb8;
	[tilespmem:$0x1FB00] =	vst v63  }
0x39: {  	_ =	swait.ge [sflag:s18], $0x3800  }
.Ltmp0:
0x3a: {  	[sflag:s18] =	ssyncset.done $0x0;
	(pc) =	sbr.rel @p0 .LBB2_2-.Ltmp0, $4  }
0x3b: {  	s23 =	sadd.s32 $0x27F0, s23;
	[sflag:s18] =	ssyncadd.s32 $0xFFFFC800  }
0x3c: {  	[spmem:s3] =	stream.indirect.scatter.add.f32 [tilespmem:s16], [sflag:$0x3], $0x80, s23, s14, $0xb8;
	[tilespmem:$0x1FB00] =	vst v63  }
0x3d: {  	_ =	swait.ge [sflag:s12], $0x3800  }
0x3e: {  	s24 =	smov.u32 s28;
	s23 =	sshra.s32 s26, $0x2;
	[sflag:s12] =	ssyncset.done $0x0  }
0x3f: {  	s24 =	sadd.s32 $0x70, s23;
	[sflag:s12] =	ssyncadd.s32 $0xFFFFC800  }
0x40: {  	[tilespmem:s16], [sflag:$0x2] =	stream.indirect.gather [hbm4b:s1+s14], $0x80, s24, s14, $0xb8;
	[tilespmem:$0x1FB00] =	vst v63  }
0x41: {  	_ =	swait.ge [sflag:s17], $0x3800  }
0x42: {  	[sflag:s17] =	ssyncset.done $0x0  }
0x43: {  	s29 =	sadd.s32 $0x2780, s23;
	[sflag:s17] =	ssyncadd.s32 $0xFFFFC800  }
0x44: {  	[spmem:s3] =	stream.indirect.scatter.add.f32 [tilespmem:s15], [sflag:$0x3], $0x80, s29, s14, $0xb8;
	[tilespmem:$0x1FB00] =	vst v63  }
0x45: {  	_ =	swait.ge [sflag:s12], $0x3800  }
0x46: {  	[sflag:s12] =	ssyncset.done $0x0  }
0x47: {  	s30 =	sadd.s32 $0xE0, s23;
	[sflag:s12] =	ssyncadd.s32 $0xFFFFC800  }
0x48: {  	[tilespmem:s15], [sflag:$0x1] =	stream.indirect.gather [hbm4b:s1+s14], $0x80, s30, s14, $0xb8;
	[tilespmem:$0x1FB00] =	vst v63  }
0x49: {  	_ =	swait.ge [sflag:s18], $0x3800  }
0x4a: {  	[sflag:s18] =	ssyncset.done $0x0  }
0x4b: {  	s31 =	sadd.s32 $0x27F0, s23;
	[sflag:s18] =	ssyncadd.s32 $0xFFFFC800  }
0x4c: {  	[spmem:s3] =	stream.indirect.scatter.add.f32 [tilespmem:s16], [sflag:$0x3], $0x80, s31, s14, $0xb8;
	[tilespmem:$0x1FB00] =	vst v63  }
0x4d: {  	_ =	swait.ge [sflag:s12], $0x3800  }
0x4e: {  	[sflag:s12] =	ssyncset.done $0x0  }
0x4f: {  	[sflag:s12] =	ssyncadd.s32 $0xFFFFC800  }
0x50: {  	[tilespmem:s16], [sflag:$0x2] =	stream.indirect.gather [hbm4b:s1+s14], $0x80, s19, s14, $0xb8;
	[tilespmem:$0x1FB00] =	vst v63  }
0x51: {  	_ =	swait.ge [sflag:s17], $0x3800  }
0x52: {  	[sflag:s17] =	ssyncset.done $0x0  }
0x53: {  	[sflag:s17] =	ssyncadd.s32 $0xFFFFC800  }
0x54: {  	[spmem:s3] =	stream.indirect.scatter.add.f32 [tilespmem:s15], [sflag:$0x3], $0x80, s20, s14, $0xb8;
	[tilespmem:$0x1FB00] =	vst v63  }
0x55: {  	_ =	swait.ge [sflag:s12], $0x3800  }
0x56: {  	[sflag:s12] =	ssyncset.done $0x0  }
0x57: {  	[sflag:s12] =	ssyncadd.s32 $0xFFFFC800  }
0x58: {  	_ =	swait.ge [sflag:s18], $0x3800  }
0x59: {  	[sflag:s18] =	ssyncset.done $0x0  }
0x5a: {  	[sflag:s18] =	ssyncadd.s32 $0xFFFFC800  }
0x5b: {  	[spmem:s3] =	stream.indirect.scatter.add.f32 [tilespmem:s16], [sflag:$0x3], $0x80, s21, s14, $0xb8;
	[tilespmem:$0x1FB00] =	vst v63  }
0x5c: {  	_ =	swait.ge [sflag:s12], $0x3800  }
0x5d: {  	s22 =	sadd.s32 $0x1, s22;
	[sflag:s12] =	ssyncset.done $0x0  }
0x5e: {  	p0 =	sne.s32 s22, s10;
	[sflag:s12] =	ssyncadd.s32 $0xFFFFC800  }
.Ltmp1:
0x5f: {  	[bflag:$0x0] =	sbarrier.arrive $0xFFFF;
	(pc) =	sbr.rel @p0 .LBB2_1-.Ltmp1, $4  }
0x60: {  	[hbm:s9], [sflag:s6] =	dma.local [spmem:s11], $0x2780  }
0x61: {  	_ =	swait.ge [sflag:s12], $0x2780  }
0x62: {  	[sflag:s12] =	ssyncset.done $0x0  }
0x63: {  	[sflag:s12] =	ssyncadd.s32 $0xFFFFD880  }
0x64: {  	_ =	sfence.sel $0x180000  }
0x65: {  	[bflag:$0x0] =	sbarrier.arrive $0xFFFF  }
0x66: {  	p0 =	sne.s32 s0, $0x0;
	_ =	strace $0x9000004A  }
0x67: {  	s0 =	sadd.s32 @!p0 $0x100000, s2;
	[bflag:$0x2] =	sbarrier.arrive $0xFFFF  }
0x68: {  	[sflag:s0] =	ssyncadd.tile.s32 @!p0 $0x1;
	_ =	shalt  }
.Lfunc_end2:
_tile_overlayer_lowered:
.L_overlay_start_2:
0x69: {  	(tag) =	ssettag $0x2  }
0x6a: {  	s0 =	rddreg [dreg:$0x0];
	s2 =	stileid.u32  }
0x6b: {  	s1 =	rddreg [dreg:$0x1];
	p0 =	sne.s32 s2, $0x0  }
0x6c: {  	s3 =	rddreg [dreg:$0x2];
	[bflag:$0x3] =	sbarrier.arrive $0xFFFF;
	s2 =	simm.s32 @!p0 $0x1C03  }
0x6d: {  	[timem:s3], [sflag:s2] =	dma.local @!p0 [hbm:s0], s1  }
0x6e: {  	s0 =	simm.s32 @!p0 $0x3  }
0x6f: {  	_ =	swait.ge @!p0 [sflag:s0], s1  }
0x70: {  	s1 =	ssub.s32 @!p0 $0x0, s1;
	[sflag:s0] =	ssyncset.done @!p0 $0x0  }
0x71: {  	[sflag:s0] =	ssyncadd.s32 @!p0 s1  }
0x72: {  	[bflag:$0x3] =	sbarrier.arrive $0xFFFF  }
0x73: {  	_ =	shalt  }

// kernel: kernel.14.cloned.1.call-start
scs
__scs_entry_jumppad:
0x0: {  	(pc) =	sbr.rel $0x88, $3  }
0x1: {  	(tag) =	ssettag $0x0;
	lr =	simm.s32 $0x1  }
0x2: {  	[smem:$0x3F99] =	sst lr;
	_ =	strace $0xD0000000  }
0x3: {  	_ = 	snop  }
0x4: {  	_ = 	snop  }
0x5: {  	_ = 	snop  }
0x6: {  	_ = 	snop  }
0x7: {  	_ = 	snop  }
__scs_overlays_trampoline_lowered:
0x8: {  	[smem:$0x3FA8] =	sst s0  }
0x9: {  	[smem:$0x3FA9] =	sst s1  }
0xa: {  	[smem:$0x3FAA] =	sst s2  }
0xb: {  	[smem:$0x3FAB] =	sst s3  }
0xc: {  	[smem:$0x3FAC] =	sst s4  }
0xd: {  	[smem:$0x3FAD] =	sst s5  }
0xe: {  	[smem:$0x3FAE] =	sst s6  }
0xf: {  	[smem:$0x3FAF] =	sst s7  }
0x10: {  	[smem:$0x3FB0] =	sst s8  }
0x11: {  	[smem:$0x3FB1] =	sst s9;
	s0 =	simm.s32 @!p0 $0x0  }
0x12: {  	s1 =	sld [smem:$0x3F97];
	s0 =	simm.s32 @p0 $0x1  }
0x13: {  	[smem:$0x3FB2] =	sst s0;
	s0 =	simm.s32 @!p1 $0x0  }
0x14: {  	s2 =	sld [smem:$0x3F96];
	s0 =	simm.s32 @p1 $0x1  }
0x15: {  	[smem:$0x3FB3] =	sst s0;
	s0 =	simm.s32 @!p2 $0x0  }
0x16: {  	s3 =	sld [smem:$0x3FDB];
	s0 =	simm.s32 @p2 $0x1  }
0x17: {  	s4 =	simm.s32 $0x1BF5;
	[smem:$0x3FB5] =	sst s0  }
0x18: {  	s0 =	sld [smem:$0x3F98];
	_ =	swait.ge [sflag:s4], $0x0  }
0x19: {  	s7 =	sld [smem:$0x3F99]  }
0x1a: {  	s8 =	sadd.s32 $0xFFFFE003, lr  }
0x1b: {  	s9 =	sadd.s32 $0xFFFFFEF7, lr;
	s5 =	simm.s32 $0xFFFFFFFF;
	p2 =	slt.u32 s8, $0xFFFFF086  }
0x1c: {  	p1 =	slt.u32 s9, $0xF7A;
	s5 =	simm.s32 @!p2 $0x0  }
0x1d: {  	s5 =	simm.s32 @p1 $0x1;
	p0 =	seq.s32 s7, s2  }
0x1e: {  	s7 =	smul.u32 @!p0 $0xF7A, s2;
	p2 =	seq.s32 @!p0 s5, $0x0  }
0x1f: {  	s9 =	smul.u32 $0xF7A, s1;
	s8 =	simm.s32 @!p0 $0x1BF5;
	p2 =	por !p2, p0  }
0x20: {  	[sflag:s8] =	ssyncset.s32 @!p0 $0xFFFFF086;
	s6 =	sadd.s32 @!p0 s3, s7;
	s7 =	simm.s32 @!p0 $0x108  }
0x21: {  	s3 =	sadd.s32 s3, s9;
	s6 =	sadd.s32 @!p0 $0x88, s6;
	s7 =	simm.s32 @p2 $0x1082  }
0x22: {  	[simem:s7], [sflag:s8] =	dma.local @!p0 [hbm:s6], $0xF7A  }
0x23: {  	s9 =	sor.u32 $0xD0000000, s2;
	s6 =	simm.s32 $0x108;
	_ =	swait.ge @!p0 [sflag:s8], $0x0  }
0x24: {  	s3 =	sadd.s32 $0x88, s3;
	s6 =	simm.s32 @!p1 $0x1082;
	[sflag:s4] =	ssyncset.s32 $0xFFFFF086  }
0x25: {  	[simem:s6], [sflag:s4] =	dma.local [hbm:s3], $0xF7A  }
0x26: {  	[smem:$0x3F99] =	sst s1;
	(tag) =	ssettag s2;
	_ =	strace s9  }
0x27: {  	s1 =	sld [smem:$0x3FA9]  }
0x28: {  	s2 =	sld [smem:$0x3FAA]  }
0x29: {  	s4 =	sld [smem:$0x3FAC]  }
0x2a: {  	p0 =	seq.s32 s5, $0x0;
	s5 =	sld [smem:$0x3FAD]  }
0x2b: {  	s6 =	sld [smem:$0x3FAE]  }
0x2c: {  	s7 =	sld [smem:$0x3FAF]  }
0x2d: {  	s3 =	simm.s32 $0x108;
	s8 =	sld [smem:$0x3FB0]  }
0x2e: {  	s3 =	simm.s32 @!p0 $0x1082;
	s9 =	sld [smem:$0x3FB1]  }
0x2f: {  	lr =	sadd.s32 s0, s3;
	s0 =	sld [smem:$0x3FA8]  }
0x30: {  	s3 =	sld [smem:$0x3FAB]  }
0x31: {  	[smem:$0x3FB4] =	sst s10  }
0x32: {  	s10 =	sld [smem:$0x3FB2];
	_ =	sdelay $0x3  }
0x33: {  	p0 =	seq.s32 s10, $0x1;
	s10 =	sld [smem:$0x3FB4];
	_ =	sdelay $0x3  }
0x34: {  	[smem:$0x3FB4] =	sst s10  }
0x35: {  	s10 =	sld [smem:$0x3FB3];
	_ =	sdelay $0x3  }
0x36: {  	p1 =	seq.s32 s10, $0x1;
	s10 =	sld [smem:$0x3FB4];
	_ =	sdelay $0x3  }
0x37: {  	[smem:$0x3FB4] =	sst s10  }
0x38: {  	s10 =	sld [smem:$0x3FB5]  }
0x39: {  	_ = 	snop;
	(pc) =	sbr.ind lr, $3  }
0x3a: {  	_ = 	snop  }
0x3b: {  	_ = 	snop  }
0x3c: {  	p2 =	seq.s32 s10, $0x1;
	s10 =	sld [smem:$0x3FB4]  }
0x3d: {  	_ =	shalt  }
0x3e: {  	_ =	shalt  }
0x3f: {  	_ =	shalt  }
0x40: {  	_ =	shalt  }
0x41: {  	_ =	shalt  }
0x42: {  	_ =	shalt  }
0x43: {  	_ =	shalt  }
0x44: {  	_ =	shalt  }
0x45: {  	_ =	shalt  }
0x46: {  	_ =	shalt  }
0x47: {  	_ =	shalt  }
0x48: {  	_ =	shalt  }
0x49: {  	_ =	shalt  }
0x4a: {  	_ =	shalt  }
0x4b: {  	_ =	shalt  }
0x4c: {  	_ =	shalt  }
0x4d: {  	_ =	shalt  }
0x4e: {  	_ =	shalt  }
0x4f: {  	_ =	shalt  }
0x50: {  	_ =	shalt  }
0x51: {  	_ =	shalt  }
0x52: {  	_ =	shalt  }
0x53: {  	_ =	shalt  }
0x54: {  	_ =	shalt  }
0x55: {  	_ =	shalt  }
0x56: {  	_ =	shalt  }
0x57: {  	_ =	shalt  }
0x58: {  	_ =	shalt  }
0x59: {  	_ =	shalt  }
0x5a: {  	_ =	shalt  }
0x5b: {  	_ =	shalt  }
0x5c: {  	_ =	shalt  }
0x5d: {  	_ =	shalt  }
0x5e: {  	_ =	shalt  }
0x5f: {  	_ =	shalt  }
0x60: {  	_ =	shalt  }
0x61: {  	_ =	shalt  }
0x62: {  	_ =	shalt  }
0x63: {  	_ =	shalt  }
0x64: {  	_ =	shalt  }
0x65: {  	_ =	shalt  }
0x66: {  	_ =	shalt  }
0x67: {  	_ =	shalt  }
0x68: {  	_ =	shalt  }
0x69: {  	_ =	shalt  }
0x6a: {  	_ =	shalt  }
0x6b: {  	_ =	shalt  }
0x6c: {  	_ =	shalt  }
0x6d: {  	_ =	shalt  }
0x6e: {  	_ =	shalt  }
0x6f: {  	_ =	shalt  }
0x70: {  	_ =	shalt  }
0x71: {  	_ =	shalt  }
0x72: {  	_ =	shalt  }
0x73: {  	_ =	shalt  }
0x74: {  	_ =	shalt  }
0x75: {  	_ =	shalt  }
0x76: {  	_ =	shalt  }
0x77: {  	_ =	shalt  }
0x78: {  	_ =	shalt  }
0x79: {  	_ =	shalt  }
0x7a: {  	_ =	shalt  }
0x7b: {  	_ =	shalt  }
0x7c: {  	_ =	shalt  }
0x7d: {  	_ =	shalt  }
0x7e: {  	_ =	shalt  }
0x7f: {  	_ =	shalt  }
0x80: {  	_ =	shalt  }
0x81: {  	_ =	shalt  }
0x82: {  	_ =	shalt  }
0x83: {  	_ =	shalt  }
0x84: {  	_ =	shalt  }
0x85: {  	_ =	shalt  }
0x86: {  	_ =	shalt  }
0x87: {  	_ =	shalt  }
.Lfunc_end0:
.L_simem_size_0:
called_computation.2_lowered:
.L_overlay_start_0:
0x88: {  	s2 =	sld [smem:$0x3FD9]  }
0x89: {  	s3 =	sld [smem:$0x3FFE];
	_ =	sdelay $0x1  }
0x8a: {  	s1 =	srdreg.scid  }
0x8b: {  	s0 =	sand.u32 $0x1, s1  }
0x8c: {  	s17 =	sshll.u32 s0, $0xA;
	s2 =	sadd.s32 s3, s2  }
0x8d: {  	s2 =	sadd.s32 s2, s17  }
0x8e: {  	[smem:$0x3FC0] =	sst s2  }
0x8f: {  	_ = 	snop  }
0x90: {  	s2 =	sld [smem:$0x3FD0];
	(tm) =	ssettm $0x1  }
0x91: {  	s18 =	sld [smem:$0x3FFB];
	_ =	sdelay $0x3  }
0x92: {  	_ =	strace s18  }
0x93: {  	s3 =	sld [smem:$0x3FFC];
	_ =	sdelay $0x3  }
0x94: {  	_ =	strace s3  }
0x95: {  	s3 =	sld [smem:$0x3FFD];
	_ =	sdelay $0x3  }
0x96: {  	_ =	strace s3  }
0x97: {  	_ =	strace $0x8FFFFFFF  }
0x98: {  	s19 =	sld [smem:$0x3FDB];
	_ =	sdelay $0x1  }
0x99: {  	s4 =	simm.s32 $_scs_section_size  }
0x9a: {  	s5 =	simm.s32 $_size__tile_overlayer_lowered;
	s6 =	simm.s32 $_tile_overlayer_lowered  }
0x9b: {  	s22 =	simm.s32 $0x1BFF;
	s21 =	sshll.u32 s6, $0x1;
	s3 =	sadd.s32 s4, s19  }
0x9c: {  	s7 =	simm.s32 $0x0;
	s20 =	sshll.u32 s5, $0x1;
	s5 =	sadd.s32 s21, s3  }
0x9d: {  	[timem:s7], [sflag:s22] =	dma.local [hbm:s5], s20  }
0x9e: {  	_ =	swait.ge [sflag:s22], s20  }
0x9f: {  	s4 =	ssub.s32 $0x0, s20;
	[sflag:s22] =	ssyncset.done $0x0  }
0xa0: {  	[sflag:s22] =	ssyncadd.s32 s4;
	_ =	sdelay $0x1  }
0xa1: {  	s23 =	simm.s32 $0x1B8B  }
0xa2: {  	_ =	swait.ge [sflag:s23], $0x1  }
0xa3: {  	[sflag:s23] =	ssyncset.done $0x0  }
0xa4: {  	s25 =	simm.s32 $0x1B8E;
	s24 =	sld [smem:$0x3FFE];
	[sflag:s23] =	ssyncadd.s32 $0xFFFFFFFF  }
0xa5: {  	s26 =	simm.s32 $execute0_lowered;
	[smem:$0x3FD2] =	sst s25  }
0xa6: {  	s5 =	sshll.u32 s26, $0x1;
	_ =	strace $0x8000004C;
	[dreg:$0x1] =	wrdreg $0xFFFFFFFF  }
0xa7: {  	s28 =	simm.s32 $_size_execute0_lowered;
	s3 =	sadd.s32 s3, s5;
	[dreg:$0x0] =	wrdreg $0x0  }
0xa8: {  	s5 =	sshll.u32 s28, $0x1;
	[dreg:$0x2] =	wrdreg s3  }
0xa9: {  	[dreg:$0x3] =	wrdreg s5  }
0xaa: {  	[dreg:$0x4] =	wrdreg $0xC0  }
0xab: {  	_ =	task [dreg:s7], $0x5FFFF  }
0xac: {  	[dreg:$0x1] =	wrdreg $0xFFFFFFFF  }
0xad: {  	[dreg:$0x0] =	wrdreg $0x60  }
0xae: {  	[dreg:$0x2] =	wrdreg s2  }
0xaf: {  	[dreg:$0x3] =	wrdreg s24  }
0xb0: {  	[dreg:$0x4] =	wrdreg $0xBF000  }
0xb1: {  	[dreg:$0x5] =	wrdreg $0x9  }
0xb2: {  	_ =	task.clear_ibuf [dreg:s7], $0x6FFFF;
	_ =	strace $0x9000004C  }
0xb3: {  	s29 =	simm.s32 $0x9;
	_ =	strace $0x8000004E  }
0xb4: {  	_ =	swait.ge [sflag:s29], $0x1  }
0xb5: {  	[sflag:s29] =	ssyncadd.s32 $0xFFFFFFFF  }
0xb6: {  	_ =	strace $0x9000004E  }
0xb7: {  	_ =	sfence  }
0xb8: {  	s30 =	sld [smem:$0x0];
	_ =	sdelay $0x2  }
0xb9: {  	s31 =	sshll.u32 s1, $0xD;
	s1 =	sshrl.u32 s1, $0x2  }
0xba: {  	s3 =	sand.u32 $0x4000, s31;
	s1 =	sadd.s32 s1, s30  }
0xbb: {  	s0 =	sor.u32 s3, s0;
	s1 =	sshll.u32 s1, $0x11  }
0xbc: {  	s0 =	sor.u32 s1, s0  }
0xbd: {  	s0 =	sadd.s32 $0x8F2B, s0  }
0xbe: {  	[sflag:s0] =	ssyncadd.remote.s32 $0x1  }
0xbf: {  	_ =	sfence.sel $0xFFFF  }
0xc0: {  	[dreg:$0x0] =	wrdreg $0xFFFFFFFF;
	(pc) =	sbr.abs _section_cstart, $3  }
0xc1: {  	[dreg:$0x1] =	wrdreg $0xFFFFFFFF  }
0xc2: {  	_ =	task.clear_ibuf [dreg:s7], $0x2FFFF;
	_ =	strace $0x9FFFFFFF  }
0xc3: {  	(tm) =	ssettm $0x7FFFFFFF  }
tec
execute0_lowered:
.L_overlay_start_1:
0x0: {  	(tag) =	ssettag $0x1  }
0x1: {  	s1 =	rddreg [dreg:$0x0]  }
0x2: {  	s6 =	rddreg [dreg:$0x1]  }
0x3: {  	s0 =	srdreg.scid;
	s3 =	rddreg [dreg:$0x2]  }
0x4: {  	s4 =	simm.s32 $0x0;
	s14 =	simm.s32 $0x70;
	s15 =	simm.s32 $0x4F00  }
0x5: {  	s16 =	simm.s32 $0x8700;
	s17 =	simm.s32 $0x1;
	s18 =	simm.s32 $0x2  }
0x6: {  	s19 =	simm.s32 $0x26F0;
	s5 =	sand.u32 $0x1, s0;
	s0 =	stileid.u32  }
0x7: {  	s20 =	simm.s32 $0x4E00;
	s21 =	simm.s32 $0x4E70;
	s8 =	smul.u32 $0x2780, s0  }
0x8: {  	s22 =	simm.s32 $0x0;
	[smem:$0x7FF] =	sst s4;
	s9 =	smul.u32 $0x27800, s5  }
0x9: {  	s2 =	sshll.u32 s5, $0x4;
	s26 =	ssub.s32 $0x2, s5;
	s28 =	smul.u32 $0x4F000, s0  }
0xa: {  	s5 =	sadd.s32 $0x15600, s6;
	s31 =	sshll.u32 s0, $0x6;
	s2 =	sor.u32 s0, s2  }
0xb: {  	s29 =	sshrl.u32 s26, $0x1;
	s7 =	smul.u32 $0x4EC, s2;
	s2 =	rddreg [dreg:$0x3]  }
0xc: {  	_ =	strace $0x8000004D;
	s25 =	sadd.s32 s8, s9;
	s30 =	sshrl.u32 s28, $0x2  }
0xd: {  	s12 =	ssub.s32 s26, s29;
	s11 =	sadd.s32 s25, s6;
	s13 =	sadd.s32 s30, s3  }
0xe: {  	s10 =	sadd.s32 s7, s6;
	s6 =	sor.u32 $0x1C03, s31;
	s9 =	sadd.s32 $0x17E00, s11  }
0xf: {  	s11 =	sshrl.u32 s13, $0x3;
	s13 =	simm.s32 $0x2780;
	s7 =	sadd.s32 $0xB800, s10  }
0x10: {  	s8 =	sadd.s32 $0x1A00, s10;
	s10 =	smax.u32 s12, $0x1;
	s12 =	simm.s32 $0x3  }
.LBB2_1:
0x11: {  	[spmem:s11], [sflag:s6] =	dma.local [hbm:s5], $0x2780  }
0x12: {  	_ =	swait.ge [sflag:s12], $0x2780  }
0x13: {  	[sflag:s12] =	ssyncset.done $0x0  }
0x14: {  	[sflag:s12] =	ssyncadd.s32 $0xFFFFD880  }
0x15: {  	[tilespmem:s4], [sflag:$0x3] =	stream.linear.gather [hbm4b:s7+s4], $0x2760, $0x38;
	[tilespmem:$0x1FB00] =	vst v63  }
0x16: {  	_ =	swait.ge [sflag:s12], $0x2760  }
0x17: {  	[sflag:s12] =	ssyncset.done $0x0  }
0x18: {  	[sflag:s12] =	ssyncadd.s32 $0xFFFFD8A0  }
0x19: {  	[tilespmem:s13], [sflag:$0x3] =	stream.linear.gather [hbm4b:s8+s4], $0x2760, $0x38;
	[tilespmem:$0x1FB00] =	vst v63  }
0x1a: {  	_ =	swait.ge [sflag:s12], $0x2760  }
0x1b: {  	[sflag:s12] =	ssyncset.done $0x0  }
0x1c: {  	[sflag:s12] =	ssyncadd.s32 $0xFFFFD8A0  }
0x1d: {  	[tilespmem:s15], [sflag:$0x1] =	stream.indirect.gather [hbm4b:s1+s14], $0x80, s4, s14, $0xb8;
	[tilespmem:$0x1FB00] =	vst v63  }
0x1e: {  	s23 =	simm.s32 $0x70;
	[bflag:$0x0] =	sbarrier.arrive $0xFFFF  }
0x1f: {  	[tilespmem:s16], [sflag:$0x2] =	stream.indirect.gather [hbm4b:s1+s14], $0x80, s23, s14, $0xb8;
	[tilespmem:$0x1FB00] =	vst v63  }
0x20: {  	_ =	swait.ge [sflag:s17], $0x3800  }
0x21: {  	[sflag:s17] =	ssyncset.done $0x0  }
0x22: {  	s29 =	simm.s32 $0x2780;
	[sflag:s17] =	ssyncadd.s32 $0xFFFFC800  }
0x23: {  	[spmem:s3] =	stream.indirect.scatter.add.f32 [tilespmem:s15], [sflag:$0x3], $0x80, s29, s14, $0xb8;
	[tilespmem:$0x1FB00] =	vst v63  }
0x24: {  	_ =	swait.ge [sflag:s12], $0x3800  }
0x25: {  	[sflag:s12] =	ssyncset.done $0x0  }
0x26: {  	s30 =	simm.s32 $0xE0;
	[sflag:s12] =	ssyncadd.s32 $0xFFFFC800  }
0x27: {  	[tilespmem:s15], [sflag:$0x1] =	stream.indirect.gather [hbm4b:s1+s14], $0x80, s30, s14, $0xb8;
	[tilespmem:$0x1FB00] =	vst v63  }
0x28: {  	_ =	swait.ge [sflag:s18], $0x3800  }
0x29: {  	[sflag:s18] =	ssyncset.done $0x0  }
0x2a: {  	s31 =	simm.s32 $0x27F0;
	[sflag:s18] =	ssyncadd.s32 $0xFFFFC800  }
0x2b: {  	[spmem:s3] =	stream.indirect.scatter.add.f32 [tilespmem:s16], [sflag:$0x3], $0x80, s31, s14, $0xb8;
	[tilespmem:$0x1FB00] =	vst v63  }
0x2c: {  	_ =	swait.ge [sflag:s12], $0x3800  }
0x2d: {  	s24 =	simm.s32 $0x700;
	s23 =	simm.s32 $0xE0;
	[sflag:s12] =	ssyncset.done $0x0  }
.LBB2_2:
0x2e: {  	s25 =	sadd.s32 $0x70, s23  }
0x2f: {  	[sflag:s12] =	ssyncadd.s32 $0xFFFFC800;
	s26 =	smov.u32 s24;
	s28 =	sadd.s32 $0x380, s24  }
0x30: {  	[tilespmem:s16], [sflag:$0x2] =	stream.indirect.gather [hbm4b:s1+s14], $0x80, s25, s14, $0xb8;
	[tilespmem:$0x1FB00] =	vst v63  }
0x31: {  	p0 =	sne.s32 s24, $0x9680;
	_ =	swait.ge [sflag:s17], $0x3800  }
0x32: {  	[sflag:s17] =	ssyncset.done $0x0  }
0x33: {  	s24 =	sadd.s32 $0x2780, s23;
	[sflag:s17] =	ssyncadd.s32 $0xFFFFC800  }
0x34: {  	[spmem:s3] =	stream.indirect.scatter.add.f32 [tilespmem:s15], [sflag:$0x3], $0x80, s24, s14, $0xb8;
	[tilespmem:$0x1FB00] =	vst v63  }
0x35: {  	_ =	swait.ge [sflag:s12], $0x3800  }
0x36: {  	[sflag:s12] =	ssyncset.done $0x0  }
0x37: {  	s24 =	sadd.s32 $0xE0, s23;
	[sflag:s12] =	ssyncadd.s32 $0xFFFFC800  }
0x38: {  	[tilespmem:s15], [sflag:$0x1] =	stream.indirect.gather [hbm4b:s1+s14], $0x80, s24, s14, $0xb8;
	[tilespmem:$0x1FB00] =	vst v63  }
0x39: {  	_ =	swait.ge [sflag:s18], $0x3800  }
.Ltmp0:
0x3a: {  	[sflag:s18] =	ssyncset.done $0x0;
	(pc) =	sbr.rel @p0 .LBB2_2-.Ltmp0, $4  }
0x3b: {  	s23 =	sadd.s32 $0x27F0, s23;
	[sflag:s18] =	ssyncadd.s32 $0xFFFFC800  }
0x3c: {  	[spmem:s3] =	stream.indirect.scatter.add.f32 [tilespmem:s16], [sflag:$0x3], $0x80, s23, s14, $0xb8;
	[tilespmem:$0x1FB00] =	vst v63  }
0x3d: {  	_ =	swait.ge [sflag:s12], $0x3800  }
0x3e: {  	s24 =	smov.u32 s28;
	s23 =	sshra.s32 s26, $0x2;
	[sflag:s12] =	ssyncset.done $0x0  }
0x3f: {  	s24 =	sadd.s32 $0x70, s23;
	[sflag:s12] =	ssyncadd.s32 $0xFFFFC800  }
0x40: {  	[tilespmem:s16], [sflag:$0x2] =	stream.indirect.gather [hbm4b:s1+s14], $0x80, s24, s14, $0xb8;
	[tilespmem:$0x1FB00] =	vst v63  }
0x41: {  	_ =	swait.ge [sflag:s17], $0x3800  }
0x42: {  	[sflag:s17] =	ssyncset.done $0x0  }
0x43: {  	s29 =	sadd.s32 $0x2780, s23;
	[sflag:s17] =	ssyncadd.s32 $0xFFFFC800  }
0x44: {  	[spmem:s3] =	stream.indirect.scatter.add.f32 [tilespmem:s15], [sflag:$0x3], $0x80, s29, s14, $0xb8;
	[tilespmem:$0x1FB00] =	vst v63  }
0x45: {  	_ =	swait.ge [sflag:s12], $0x3800  }
0x46: {  	[sflag:s12] =	ssyncset.done $0x0  }
0x47: {  	s30 =	sadd.s32 $0xE0, s23;
	[sflag:s12] =	ssyncadd.s32 $0xFFFFC800  }
0x48: {  	[tilespmem:s15], [sflag:$0x1] =	stream.indirect.gather [hbm4b:s1+s14], $0x80, s30, s14, $0xb8;
	[tilespmem:$0x1FB00] =	vst v63  }
0x49: {  	_ =	swait.ge [sflag:s18], $0x3800  }
0x4a: {  	[sflag:s18] =	ssyncset.done $0x0  }
0x4b: {  	s31 =	sadd.s32 $0x27F0, s23;
	[sflag:s18] =	ssyncadd.s32 $0xFFFFC800  }
0x4c: {  	[spmem:s3] =	stream.indirect.scatter.add.f32 [tilespmem:s16], [sflag:$0x3], $0x80, s31, s14, $0xb8;
	[tilespmem:$0x1FB00] =	vst v63  }
0x4d: {  	_ =	swait.ge [sflag:s12], $0x3800  }
0x4e: {  	[sflag:s12] =	ssyncset.done $0x0  }
0x4f: {  	[sflag:s12] =	ssyncadd.s32 $0xFFFFC800  }
0x50: {  	[tilespmem:s16], [sflag:$0x2] =	stream.indirect.gather [hbm4b:s1+s14], $0x80, s19, s14, $0xb8;
	[tilespmem:$0x1FB00] =	vst v63  }
0x51: {  	_ =	swait.ge [sflag:s17], $0x3800  }
0x52: {  	[sflag:s17] =	ssyncset.done $0x0  }
0x53: {  	[sflag:s17] =	ssyncadd.s32 $0xFFFFC800  }
0x54: {  	[spmem:s3] =	stream.indirect.scatter.add.f32 [tilespmem:s15], [sflag:$0x3], $0x80, s20, s14, $0xb8;
	[tilespmem:$0x1FB00] =	vst v63  }
0x55: {  	_ =	swait.ge [sflag:s12], $0x3800  }
0x56: {  	[sflag:s12] =	ssyncset.done $0x0  }
0x57: {  	[sflag:s12] =	ssyncadd.s32 $0xFFFFC800  }
0x58: {  	_ =	swait.ge [sflag:s18], $0x3800  }
0x59: {  	[sflag:s18] =	ssyncset.done $0x0  }
0x5a: {  	[sflag:s18] =	ssyncadd.s32 $0xFFFFC800  }
0x5b: {  	[spmem:s3] =	stream.indirect.scatter.add.f32 [tilespmem:s16], [sflag:$0x3], $0x80, s21, s14, $0xb8;
	[tilespmem:$0x1FB00] =	vst v63  }
0x5c: {  	_ =	swait.ge [sflag:s12], $0x3800  }
0x5d: {  	s22 =	sadd.s32 $0x1, s22;
	[sflag:s12] =	ssyncset.done $0x0  }
0x5e: {  	p0 =	sne.s32 s22, s10;
	[sflag:s12] =	ssyncadd.s32 $0xFFFFC800  }
.Ltmp1:
0x5f: {  	[bflag:$0x0] =	sbarrier.arrive $0xFFFF;
	(pc) =	sbr.rel @p0 .LBB2_1-.Ltmp1, $4  }
0x60: {  	[hbm:s9], [sflag:s6] =	dma.local [spmem:s11], $0x2780  }
0x61: {  	_ =	swait.ge [sflag:s12], $0x2780  }
0x62: {  	[sflag:s12] =	ssyncset.done $0x0  }
0x63: {  	[sflag:s12] =	ssyncadd.s32 $0xFFFFD880  }
0x64: {  	_ =	sfence.sel $0x180000  }
0x65: {  	[bflag:$0x0] =	sbarrier.arrive $0xFFFF  }
0x66: {  	p0 =	sne.s32 s0, $0x0;
	_ =	strace $0x9000004D  }
0x67: {  	s0 =	sadd.s32 @!p0 $0x100000, s2;
	[bflag:$0x2] =	sbarrier.arrive $0xFFFF  }
0x68: {  	[sflag:s0] =	ssyncadd.tile.s32 @!p0 $0x1;
	_ =	shalt  }
.Lfunc_end2:
_tile_overlayer_lowered:
.L_overlay_start_2:
0x69: {  	(tag) =	ssettag $0x2  }
0x6a: {  	s0 =	rddreg [dreg:$0x0];
	s2 =	stileid.u32  }
0x6b: {  	s1 =	rddreg [dreg:$0x1];
	p0 =	sne.s32 s2, $0x0  }
0x6c: {  	s3 =	rddreg [dreg:$0x2];
	[bflag:$0x3] =	sbarrier.arrive $0xFFFF;
	s2 =	simm.s32 @!p0 $0x1C03  }
0x6d: {  	[timem:s3], [sflag:s2] =	dma.local @!p0 [hbm:s0], s1  }
0x6e: {  	s0 =	simm.s32 @!p0 $0x3  }
0x6f: {  	_ =	swait.ge @!p0 [sflag:s0], s1  }
0x70: {  	s1 =	ssub.s32 @!p0 $0x0, s1;
	[sflag:s0] =	ssyncset.done @!p0 $0x0  }
0x71: {  	[sflag:s0] =	ssyncadd.s32 @!p0 s1  }
0x72: {  	[bflag:$0x3] =	sbarrier.arrive $0xFFFF  }
0x73: {  	_ =	shalt  }

// kernel: kernel.8.cloned.1.call-start
scs
__scs_entry_jumppad:
0x0: {  	(pc) =	sbr.rel $0x88, $3  }
0x1: {  	(tag) =	ssettag $0x0;
	lr =	simm.s32 $0x1  }
0x2: {  	[smem:$0x3F99] =	sst lr;
	_ =	strace $0xD0000000  }
0x3: {  	_ = 	snop  }
0x4: {  	_ = 	snop  }
0x5: {  	_ = 	snop  }
0x6: {  	_ = 	snop  }
0x7: {  	_ = 	snop  }
__scs_overlays_trampoline_lowered:
0x8: {  	[smem:$0x3FA8] =	sst s0  }
0x9: {  	[smem:$0x3FA9] =	sst s1  }
0xa: {  	[smem:$0x3FAA] =	sst s2  }
0xb: {  	[smem:$0x3FAB] =	sst s3  }
0xc: {  	[smem:$0x3FAC] =	sst s4  }
0xd: {  	[smem:$0x3FAD] =	sst s5  }
0xe: {  	[smem:$0x3FAE] =	sst s6  }
0xf: {  	[smem:$0x3FAF] =	sst s7  }
0x10: {  	[smem:$0x3FB0] =	sst s8  }
0x11: {  	[smem:$0x3FB1] =	sst s9;
	s0 =	simm.s32 @!p0 $0x0  }
0x12: {  	s1 =	sld [smem:$0x3F97];
	s0 =	simm.s32 @p0 $0x1  }
0x13: {  	[smem:$0x3FB2] =	sst s0;
	s0 =	simm.s32 @!p1 $0x0  }
0x14: {  	s2 =	sld [smem:$0x3F96];
	s0 =	simm.s32 @p1 $0x1  }
0x15: {  	[smem:$0x3FB3] =	sst s0;
	s0 =	simm.s32 @!p2 $0x0  }
0x16: {  	s3 =	sld [smem:$0x3FDB];
	s0 =	simm.s32 @p2 $0x1  }
0x17: {  	s4 =	simm.s32 $0x1BF5;
	[smem:$0x3FB5] =	sst s0  }
0x18: {  	s0 =	sld [smem:$0x3F98];
	_ =	swait.ge [sflag:s4], $0x0  }
0x19: {  	s7 =	sld [smem:$0x3F99]  }
0x1a: {  	s8 =	sadd.s32 $0xFFFFE003, lr  }
0x1b: {  	s9 =	sadd.s32 $0xFFFFFEF7, lr;
	s5 =	simm.s32 $0xFFFFFFFF;
	p2 =	slt.u32 s8, $0xFFFFF086  }
0x1c: {  	p1 =	slt.u32 s9, $0xF7A;
	s5 =	simm.s32 @!p2 $0x0  }
0x1d: {  	s5 =	simm.s32 @p1 $0x1;
	p0 =	seq.s32 s7, s2  }
0x1e: {  	s7 =	smul.u32 @!p0 $0xF7A, s2;
	p2 =	seq.s32 @!p0 s5, $0x0  }
0x1f: {  	s9 =	smul.u32 $0xF7A, s1;
	s8 =	simm.s32 @!p0 $0x1BF5;
	p2 =	por !p2, p0  }
0x20: {  	[sflag:s8] =	ssyncset.s32 @!p0 $0xFFFFF086;
	s6 =	sadd.s32 @!p0 s3, s7;
	s7 =	simm.s32 @!p0 $0x108  }
0x21: {  	s3 =	sadd.s32 s3, s9;
	s6 =	sadd.s32 @!p0 $0x88, s6;
	s7 =	simm.s32 @p2 $0x1082  }
0x22: {  	[simem:s7], [sflag:s8] =	dma.local @!p0 [hbm:s6], $0xF7A  }
0x23: {  	s9 =	sor.u32 $0xD0000000, s2;
	s6 =	simm.s32 $0x108;
	_ =	swait.ge @!p0 [sflag:s8], $0x0  }
0x24: {  	s3 =	sadd.s32 $0x88, s3;
	s6 =	simm.s32 @!p1 $0x1082;
	[sflag:s4] =	ssyncset.s32 $0xFFFFF086  }
0x25: {  	[simem:s6], [sflag:s4] =	dma.local [hbm:s3], $0xF7A  }
0x26: {  	[smem:$0x3F99] =	sst s1;
	(tag) =	ssettag s2;
	_ =	strace s9  }
0x27: {  	s1 =	sld [smem:$0x3FA9]  }
0x28: {  	s2 =	sld [smem:$0x3FAA]  }
0x29: {  	s4 =	sld [smem:$0x3FAC]  }
0x2a: {  	p0 =	seq.s32 s5, $0x0;
	s5 =	sld [smem:$0x3FAD]  }
0x2b: {  	s6 =	sld [smem:$0x3FAE]  }
0x2c: {  	s7 =	sld [smem:$0x3FAF]  }
0x2d: {  	s3 =	simm.s32 $0x108;
	s8 =	sld [smem:$0x3FB0]  }
0x2e: {  	s3 =	simm.s32 @!p0 $0x1082;
	s9 =	sld [smem:$0x3FB1]  }
0x2f: {  	lr =	sadd.s32 s0, s3;
	s0 =	sld [smem:$0x3FA8]  }
0x30: {  	s3 =	sld [smem:$0x3FAB]  }
0x31: {  	[smem:$0x3FB4] =	sst s10  }
0x32: {  	s10 =	sld [smem:$0x3FB2];
	_ =	sdelay $0x3  }
0x33: {  	p0 =	seq.s32 s10, $0x1;
	s10 =	sld [smem:$0x3FB4];
	_ =	sdelay $0x3  }
0x34: {  	[smem:$0x3FB4] =	sst s10  }
0x35: {  	s10 =	sld [smem:$0x3FB3];
	_ =	sdelay $0x3  }
0x36: {  	p1 =	seq.s32 s10, $0x1;
	s10 =	sld [smem:$0x3FB4];
	_ =	sdelay $0x3  }
0x37: {  	[smem:$0x3FB4] =	sst s10  }
0x38: {  	s10 =	sld [smem:$0x3FB5]  }
0x39: {  	_ = 	snop;
	(pc) =	sbr.ind lr, $3  }
0x3a: {  	_ = 	snop  }
0x3b: {  	_ = 	snop  }
0x3c: {  	p2 =	seq.s32 s10, $0x1;
	s10 =	sld [smem:$0x3FB4]  }
0x3d: {  	_ =	shalt  }
0x3e: {  	_ =	shalt  }
0x3f: {  	_ =	shalt  }
0x40: {  	_ =	shalt  }
0x41: {  	_ =	shalt  }
0x42: {  	_ =	shalt  }
0x43: {  	_ =	shalt  }
0x44: {  	_ =	shalt  }
0x45: {  	_ =	shalt  }
0x46: {  	_ =	shalt  }
0x47: {  	_ =	shalt  }
0x48: {  	_ =	shalt  }
0x49: {  	_ =	shalt  }
0x4a: {  	_ =	shalt  }
0x4b: {  	_ =	shalt  }
0x4c: {  	_ =	shalt  }
0x4d: {  	_ =	shalt  }
0x4e: {  	_ =	shalt  }
0x4f: {  	_ =	shalt  }
0x50: {  	_ =	shalt  }
0x51: {  	_ =	shalt  }
0x52: {  	_ =	shalt  }
0x53: {  	_ =	shalt  }
0x54: {  	_ =	shalt  }
0x55: {  	_ =	shalt  }
0x56: {  	_ =	shalt  }
0x57: {  	_ =	shalt  }
0x58: {  	_ =	shalt  }
0x59: {  	_ =	shalt  }
0x5a: {  	_ =	shalt  }
0x5b: {  	_ =	shalt  }
0x5c: {  	_ =	shalt  }
0x5d: {  	_ =	shalt  }
0x5e: {  	_ =	shalt  }
0x5f: {  	_ =	shalt  }
0x60: {  	_ =	shalt  }
0x61: {  	_ =	shalt  }
0x62: {  	_ =	shalt  }
0x63: {  	_ =	shalt  }
0x64: {  	_ =	shalt  }
0x65: {  	_ =	shalt  }
0x66: {  	_ =	shalt  }
0x67: {  	_ =	shalt  }
0x68: {  	_ =	shalt  }
0x69: {  	_ =	shalt  }
0x6a: {  	_ =	shalt  }
0x6b: {  	_ =	shalt  }
0x6c: {  	_ =	shalt  }
0x6d: {  	_ =	shalt  }
0x6e: {  	_ =	shalt  }
0x6f: {  	_ =	shalt  }
0x70: {  	_ =	shalt  }
0x71: {  	_ =	shalt  }
0x72: {  	_ =	shalt  }
0x73: {  	_ =	shalt  }
0x74: {  	_ =	shalt  }
0x75: {  	_ =	shalt  }
0x76: {  	_ =	shalt  }
0x77: {  	_ =	shalt  }
0x78: {  	_ =	shalt  }
0x79: {  	_ =	shalt  }
0x7a: {  	_ =	shalt  }
0x7b: {  	_ =	shalt  }
0x7c: {  	_ =	shalt  }
0x7d: {  	_ =	shalt  }
0x7e: {  	_ =	shalt  }
0x7f: {  	_ =	shalt  }
0x80: {  	_ =	shalt  }
0x81: {  	_ =	shalt  }
0x82: {  	_ =	shalt  }
0x83: {  	_ =	shalt  }
0x84: {  	_ =	shalt  }
0x85: {  	_ =	shalt  }
0x86: {  	_ =	shalt  }
0x87: {  	_ =	shalt  }
.Lfunc_end0:
.L_simem_size_0:
called_computation_lowered:
.L_overlay_start_0:
0x88: {  	s2 =	sld [smem:$0x3FD9]  }
0x89: {  	s3 =	sld [smem:$0x3FFE];
	_ =	sdelay $0x1  }
0x8a: {  	s1 =	srdreg.scid  }
0x8b: {  	s0 =	sand.u32 $0x1, s1  }
0x8c: {  	s17 =	sshll.u32 s0, $0xA;
	s2 =	sadd.s32 s3, s2  }
0x8d: {  	s2 =	sadd.s32 s2, s17  }
0x8e: {  	[smem:$0x3FC0] =	sst s2  }
0x8f: {  	_ = 	snop  }
0x90: {  	s2 =	sld [smem:$0x3FC9];
	(tm) =	ssettm $0x1  }
0x91: {  	s18 =	sld [smem:$0x3FFB];
	_ =	sdelay $0x3  }
0x92: {  	_ =	strace s18  }
0x93: {  	s3 =	sld [smem:$0x3FFC];
	_ =	sdelay $0x3  }
0x94: {  	_ =	strace s3  }
0x95: {  	s3 =	sld [smem:$0x3FFD];
	_ =	sdelay $0x3  }
0x96: {  	_ =	strace s3  }
0x97: {  	_ =	strace $0x8FFFFFFF  }
0x98: {  	s19 =	sld [smem:$0x3FDB];
	_ =	sdelay $0x1  }
0x99: {  	s4 =	simm.s32 $_scs_section_size  }
0x9a: {  	s5 =	simm.s32 $_size__tile_overlayer_lowered;
	s6 =	simm.s32 $_tile_overlayer_lowered  }
0x9b: {  	s22 =	simm.s32 $0x1BFF;
	s21 =	sshll.u32 s6, $0x1;
	s3 =	sadd.s32 s4, s19  }
0x9c: {  	s7 =	simm.s32 $0x0;
	s20 =	sshll.u32 s5, $0x1;
	s5 =	sadd.s32 s21, s3  }
0x9d: {  	[timem:s7], [sflag:s22] =	dma.local [hbm:s5], s20  }
0x9e: {  	_ =	swait.ge [sflag:s22], s20  }
0x9f: {  	s4 =	ssub.s32 $0x0, s20;
	[sflag:s22] =	ssyncset.done $0x0  }
0xa0: {  	[sflag:s22] =	ssyncadd.s32 s4;
	_ =	sdelay $0x1  }
0xa1: {  	s23 =	simm.s32 $0x1B8B  }
0xa2: {  	_ =	swait.ge [sflag:s23], $0x1  }
0xa3: {  	[sflag:s23] =	ssyncset.done $0x0  }
0xa4: {  	s25 =	simm.s32 $0x1B8E;
	s24 =	sld [smem:$0x3FFE];
	[sflag:s23] =	ssyncadd.s32 $0xFFFFFFFF  }
0xa5: {  	s26 =	simm.s32 $execute0_lowered;
	[smem:$0x3FD2] =	sst s25  }
0xa6: {  	s5 =	sshll.u32 s26, $0x1;
	_ =	strace $0x80000046;
	[dreg:$0x1] =	wrdreg $0xFFFFFFFF  }
0xa7: {  	s28 =	simm.s32 $_size_execute0_lowered;
	s3 =	sadd.s32 s3, s5;
	[dreg:$0x0] =	wrdreg $0x0  }
0xa8: {  	s5 =	sshll.u32 s28, $0x1;
	[dreg:$0x2] =	wrdreg s3  }
0xa9: {  	[dreg:$0x3] =	wrdreg s5  }
0xaa: {  	[dreg:$0x4] =	wrdreg $0xC0  }
0xab: {  	_ =	task [dreg:s7], $0x5FFFF  }
0xac: {  	[dreg:$0x1] =	wrdreg $0xFFFFFFFF  }
0xad: {  	[dreg:$0x0] =	wrdreg $0x60  }
0xae: {  	[dreg:$0x2] =	wrdreg s2  }
0xaf: {  	[dreg:$0x3] =	wrdreg s24  }
0xb0: {  	[dreg:$0x4] =	wrdreg $0xBF000  }
0xb1: {  	[dreg:$0x5] =	wrdreg $0x9  }
0xb2: {  	_ =	task.clear_ibuf [dreg:s7], $0x6FFFF;
	_ =	strace $0x90000046  }
0xb3: {  	s29 =	simm.s32 $0x9;
	_ =	strace $0x80000048  }
0xb4: {  	_ =	swait.ge [sflag:s29], $0x1  }
0xb5: {  	[sflag:s29] =	ssyncadd.s32 $0xFFFFFFFF  }
0xb6: {  	_ =	strace $0x90000048  }
0xb7: {  	_ =	sfence  }
0xb8: {  	s30 =	sld [smem:$0x0];
	_ =	sdelay $0x2  }
0xb9: {  	s31 =	sshll.u32 s1, $0xD;
	s1 =	sshrl.u32 s1, $0x2  }
0xba: {  	s3 =	sand.u32 $0x4000, s31;
	s1 =	sadd.s32 s1, s30  }
0xbb: {  	s0 =	sor.u32 s3, s0;
	s1 =	sshll.u32 s1, $0x11  }
0xbc: {  	s0 =	sor.u32 s1, s0  }
0xbd: {  	s0 =	sadd.s32 $0x8F2B, s0  }
0xbe: {  	[sflag:s0] =	ssyncadd.remote.s32 $0x1  }
0xbf: {  	_ =	sfence.sel $0xFFFF  }
0xc0: {  	[dreg:$0x0] =	wrdreg $0xFFFFFFFF;
	(pc) =	sbr.abs _section_cstart, $3  }
0xc1: {  	[dreg:$0x1] =	wrdreg $0xFFFFFFFF  }
0xc2: {  	_ =	task.clear_ibuf [dreg:s7], $0x2FFFF;
	_ =	strace $0x9FFFFFFF  }
0xc3: {  	(tm) =	ssettm $0x7FFFFFFF  }
tec
execute0_lowered:
.L_overlay_start_1:
0x0: {  	(tag) =	ssettag $0x1  }
0x1: {  	s1 =	rddreg [dreg:$0x0]  }
0x2: {  	s6 =	rddreg [dreg:$0x1]  }
0x3: {  	s0 =	srdreg.scid;
	s3 =	rddreg [dreg:$0x2]  }
0x4: {  	s4 =	simm.s32 $0x0;
	s14 =	simm.s32 $0x70;
	s15 =	simm.s32 $0x4F00  }
0x5: {  	s16 =	simm.s32 $0x8700;
	s17 =	simm.s32 $0x1;
	s18 =	simm.s32 $0x2  }
0x6: {  	s19 =	simm.s32 $0x26F0;
	s5 =	sand.u32 $0x1, s0;
	s0 =	stileid.u32  }
0x7: {  	s20 =	simm.s32 $0x4E00;
	s21 =	simm.s32 $0x4E70;
	s8 =	smul.u32 $0x2780, s0  }
0x8: {  	s22 =	simm.s32 $0x0;
	[smem:$0x7FF] =	sst s4;
	s9 =	smul.u32 $0x27800, s5  }
0x9: {  	s2 =	sshll.u32 s5, $0x4;
	s26 =	ssub.s32 $0x2, s5;
	s28 =	smul.u32 $0x4F000, s0  }
0xa: {  	s5 =	sadd.s32 $0x15600, s6;
	s31 =	sshll.u32 s0, $0x6;
	s2 =	sor.u32 s0, s2  }
0xb: {  	s29 =	sshrl.u32 s26, $0x1;
	s7 =	smul.u32 $0x4EC, s2;
	s2 =	rddreg [dreg:$0x3]  }
0xc: {  	_ =	strace $0x80000047;
	s25 =	sadd.s32 s8, s9;
	s30 =	sshrl.u32 s28, $0x2  }
0xd: {  	s12 =	ssub.s32 s26, s29;
	s11 =	sadd.s32 s25, s6;
	s13 =	sadd.s32 s30, s3  }
0xe: {  	s10 =	sadd.s32 s7, s6;
	s6 =	sor.u32 $0x1C03, s31;
	s9 =	sadd.s32 $0x17E00, s11  }
0xf: {  	s11 =	sshrl.u32 s13, $0x3;
	s13 =	simm.s32 $0x2780;
	s7 =	sadd.s32 $0xB800, s10  }
0x10: {  	s8 =	sadd.s32 $0x1A00, s10;
	s10 =	smax.u32 s12, $0x1;
	s12 =	simm.s32 $0x3  }
.LBB2_1:
0x11: {  	[spmem:s11], [sflag:s6] =	dma.local [hbm:s5], $0x2780  }
0x12: {  	_ =	swait.ge [sflag:s12], $0x2780  }
0x13: {  	[sflag:s12] =	ssyncset.done $0x0  }
0x14: {  	[sflag:s12] =	ssyncadd.s32 $0xFFFFD880  }
0x15: {  	[tilespmem:s4], [sflag:$0x3] =	stream.linear.gather [hbm4b:s7+s4], $0x2760, $0x38;
	[tilespmem:$0x1FB00] =	vst v63  }
0x16: {  	_ =	swait.ge [sflag:s12], $0x2760  }
0x17: {  	[sflag:s12] =	ssyncset.done $0x0  }
0x18: {  	[sflag:s12] =	ssyncadd.s32 $0xFFFFD8A0  }
0x19: {  	[tilespmem:s13], [sflag:$0x3] =	stream.linear.gather [hbm4b:s8+s4], $0x2760, $0x38;
	[tilespmem:$0x1FB00] =	vst v63  }
0x1a: {  	_ =	swait.ge [sflag:s12], $0x2760  }
0x1b: {  	[sflag:s12] =	ssyncset.done $0x0  }
0x1c: {  	[sflag:s12] =	ssyncadd.s32 $0xFFFFD8A0  }
0x1d: {  	[tilespmem:s15], [sflag:$0x1] =	stream.indirect.gather [hbm4b:s1+s14], $0x80, s4, s14, $0xb8;
	[tilespmem:$0x1FB00] =	vst v63  }
0x1e: {  	s23 =	simm.s32 $0x70;
	[bflag:$0x0] =	sbarrier.arrive $0xFFFF  }
0x1f: {  	[tilespmem:s16], [sflag:$0x2] =	stream.indirect.gather [hbm4b:s1+s14], $0x80, s23, s14, $0xb8;
	[tilespmem:$0x1FB00] =	vst v63  }
0x20: {  	_ =	swait.ge [sflag:s17], $0x3800  }
0x21: {  	[sflag:s17] =	ssyncset.done $0x0  }
0x22: {  	s29 =	simm.s32 $0x2780;
	[sflag:s17] =	ssyncadd.s32 $0xFFFFC800  }
0x23: {  	[spmem:s3] =	stream.indirect.scatter.add.f32 [tilespmem:s15], [sflag:$0x3], $0x80, s29, s14, $0xb8;
	[tilespmem:$0x1FB00] =	vst v63  }
0x24: {  	_ =	swait.ge [sflag:s12], $0x3800  }
0x25: {  	[sflag:s12] =	ssyncset.done $0x0  }
0x26: {  	s30 =	simm.s32 $0xE0;
	[sflag:s12] =	ssyncadd.s32 $0xFFFFC800  }
0x27: {  	[tilespmem:s15], [sflag:$0x1] =	stream.indirect.gather [hbm4b:s1+s14], $0x80, s30, s14, $0xb8;
	[tilespmem:$0x1FB00] =	vst v63  }
0x28: {  	_ =	swait.ge [sflag:s18], $0x3800  }
0x29: {  	[sflag:s18] =	ssyncset.done $0x0  }
0x2a: {  	s31 =	simm.s32 $0x27F0;
	[sflag:s18] =	ssyncadd.s32 $0xFFFFC800  }
0x2b: {  	[spmem:s3] =	stream.indirect.scatter.add.f32 [tilespmem:s16], [sflag:$0x3], $0x80, s31, s14, $0xb8;
	[tilespmem:$0x1FB00] =	vst v63  }
0x2c: {  	_ =	swait.ge [sflag:s12], $0x3800  }
0x2d: {  	s24 =	simm.s32 $0x700;
	s23 =	simm.s32 $0xE0;
	[sflag:s12] =	ssyncset.done $0x0  }
.LBB2_2:
0x2e: {  	s25 =	sadd.s32 $0x70, s23  }
0x2f: {  	[sflag:s12] =	ssyncadd.s32 $0xFFFFC800;
	s26 =	smov.u32 s24;
	s28 =	sadd.s32 $0x380, s24  }
0x30: {  	[tilespmem:s16], [sflag:$0x2] =	stream.indirect.gather [hbm4b:s1+s14], $0x80, s25, s14, $0xb8;
	[tilespmem:$0x1FB00] =	vst v63  }
0x31: {  	p0 =	sne.s32 s24, $0x9680;
	_ =	swait.ge [sflag:s17], $0x3800  }
0x32: {  	[sflag:s17] =	ssyncset.done $0x0  }
0x33: {  	s24 =	sadd.s32 $0x2780, s23;
	[sflag:s17] =	ssyncadd.s32 $0xFFFFC800  }
0x34: {  	[spmem:s3] =	stream.indirect.scatter.add.f32 [tilespmem:s15], [sflag:$0x3], $0x80, s24, s14, $0xb8;
	[tilespmem:$0x1FB00] =	vst v63  }
0x35: {  	_ =	swait.ge [sflag:s12], $0x3800  }
0x36: {  	[sflag:s12] =	ssyncset.done $0x0  }
0x37: {  	s24 =	sadd.s32 $0xE0, s23;
	[sflag:s12] =	ssyncadd.s32 $0xFFFFC800  }
0x38: {  	[tilespmem:s15], [sflag:$0x1] =	stream.indirect.gather [hbm4b:s1+s14], $0x80, s24, s14, $0xb8;
	[tilespmem:$0x1FB00] =	vst v63  }
0x39: {  	_ =	swait.ge [sflag:s18], $0x3800  }
.Ltmp0:
0x3a: {  	[sflag:s18] =	ssyncset.done $0x0;
	(pc) =	sbr.rel @p0 .LBB2_2-.Ltmp0, $4  }
0x3b: {  	s23 =	sadd.s32 $0x27F0, s23;
	[sflag:s18] =	ssyncadd.s32 $0xFFFFC800  }
0x3c: {  	[spmem:s3] =	stream.indirect.scatter.add.f32 [tilespmem:s16], [sflag:$0x3], $0x80, s23, s14, $0xb8;
	[tilespmem:$0x1FB00] =	vst v63  }
0x3d: {  	_ =	swait.ge [sflag:s12], $0x3800  }
0x3e: {  	s24 =	smov.u32 s28;
	s23 =	sshra.s32 s26, $0x2;
	[sflag:s12] =	ssyncset.done $0x0  }
0x3f: {  	s24 =	sadd.s32 $0x70, s23;
	[sflag:s12] =	ssyncadd.s32 $0xFFFFC800  }
0x40: {  	[tilespmem:s16], [sflag:$0x2] =	stream.indirect.gather [hbm4b:s1+s14], $0x80, s24, s14, $0xb8;
	[tilespmem:$0x1FB00] =	vst v63  }
0x41: {  	_ =	swait.ge [sflag:s17], $0x3800  }
0x42: {  	[sflag:s17] =	ssyncset.done $0x0  }
0x43: {  	s29 =	sadd.s32 $0x2780, s23;
	[sflag:s17] =	ssyncadd.s32 $0xFFFFC800  }
0x44: {  	[spmem:s3] =	stream.indirect.scatter.add.f32 [tilespmem:s15], [sflag:$0x3], $0x80, s29, s14, $0xb8;
	[tilespmem:$0x1FB00] =	vst v63  }
0x45: {  	_ =	swait.ge [sflag:s12], $0x3800  }
0x46: {  	[sflag:s12] =	ssyncset.done $0x0  }
0x47: {  	s30 =	sadd.s32 $0xE0, s23;
	[sflag:s12] =	ssyncadd.s32 $0xFFFFC800  }
0x48: {  	[tilespmem:s15], [sflag:$0x1] =	stream.indirect.gather [hbm4b:s1+s14], $0x80, s30, s14, $0xb8;
	[tilespmem:$0x1FB00] =	vst v63  }
0x49: {  	_ =	swait.ge [sflag:s18], $0x3800  }
0x4a: {  	[sflag:s18] =	ssyncset.done $0x0  }
0x4b: {  	s31 =	sadd.s32 $0x27F0, s23;
	[sflag:s18] =	ssyncadd.s32 $0xFFFFC800  }
0x4c: {  	[spmem:s3] =	stream.indirect.scatter.add.f32 [tilespmem:s16], [sflag:$0x3], $0x80, s31, s14, $0xb8;
	[tilespmem:$0x1FB00] =	vst v63  }
0x4d: {  	_ =	swait.ge [sflag:s12], $0x3800  }
0x4e: {  	[sflag:s12] =	ssyncset.done $0x0  }
0x4f: {  	[sflag:s12] =	ssyncadd.s32 $0xFFFFC800  }
0x50: {  	[tilespmem:s16], [sflag:$0x2] =	stream.indirect.gather [hbm4b:s1+s14], $0x80, s19, s14, $0xb8;
	[tilespmem:$0x1FB00] =	vst v63  }
0x51: {  	_ =	swait.ge [sflag:s17], $0x3800  }
0x52: {  	[sflag:s17] =	ssyncset.done $0x0  }
0x53: {  	[sflag:s17] =	ssyncadd.s32 $0xFFFFC800  }
0x54: {  	[spmem:s3] =	stream.indirect.scatter.add.f32 [tilespmem:s15], [sflag:$0x3], $0x80, s20, s14, $0xb8;
	[tilespmem:$0x1FB00] =	vst v63  }
0x55: {  	_ =	swait.ge [sflag:s12], $0x3800  }
0x56: {  	[sflag:s12] =	ssyncset.done $0x0  }
0x57: {  	[sflag:s12] =	ssyncadd.s32 $0xFFFFC800  }
0x58: {  	_ =	swait.ge [sflag:s18], $0x3800  }
0x59: {  	[sflag:s18] =	ssyncset.done $0x0  }
0x5a: {  	[sflag:s18] =	ssyncadd.s32 $0xFFFFC800  }
0x5b: {  	[spmem:s3] =	stream.indirect.scatter.add.f32 [tilespmem:s16], [sflag:$0x3], $0x80, s21, s14, $0xb8;
	[tilespmem:$0x1FB00] =	vst v63  }
0x5c: {  	_ =	swait.ge [sflag:s12], $0x3800  }
0x5d: {  	s22 =	sadd.s32 $0x1, s22;
	[sflag:s12] =	ssyncset.done $0x0  }
0x5e: {  	p0 =	sne.s32 s22, s10;
	[sflag:s12] =	ssyncadd.s32 $0xFFFFC800  }
.Ltmp1:
0x5f: {  	[bflag:$0x0] =	sbarrier.arrive $0xFFFF;
	(pc) =	sbr.rel @p0 .LBB2_1-.Ltmp1, $4  }
0x60: {  	[hbm:s9], [sflag:s6] =	dma.local [spmem:s11], $0x2780  }
0x61: {  	_ =	swait.ge [sflag:s12], $0x2780  }
0x62: {  	[sflag:s12] =	ssyncset.done $0x0  }
0x63: {  	[sflag:s12] =	ssyncadd.s32 $0xFFFFD880  }
0x64: {  	_ =	sfence.sel $0x180000  }
0x65: {  	[bflag:$0x0] =	sbarrier.arrive $0xFFFF  }
0x66: {  	p0 =	sne.s32 s0, $0x0;
	_ =	strace $0x90000047  }
0x67: {  	s0 =	sadd.s32 @!p0 $0x100000, s2;
	[bflag:$0x2] =	sbarrier.arrive $0xFFFF  }
0x68: {  	[sflag:s0] =	ssyncadd.tile.s32 @!p0 $0x1;
	_ =	shalt  }
.Lfunc_end2:
_tile_overlayer_lowered:
.L_overlay_start_2:
0x69: {  	(tag) =	ssettag $0x2  }
0x6a: {  	s0 =	rddreg [dreg:$0x0];
	s2 =	stileid.u32  }
0x6b: {  	s1 =	rddreg [dreg:$0x1];
	p0 =	sne.s32 s2, $0x0  }
0x6c: {  	s3 =	rddreg [dreg:$0x2];
	[bflag:$0x3] =	sbarrier.arrive $0xFFFF;
	s2 =	simm.s32 @!p0 $0x1C03  }
0x6d: {  	[timem:s3], [sflag:s2] =	dma.local @!p0 [hbm:s0], s1  }
0x6e: {  	s0 =	simm.s32 @!p0 $0x3  }
0x6f: {  	_ =	swait.ge @!p0 [sflag:s0], s1  }
0x70: {  	s1 =	ssub.s32 @!p0 $0x0, s1;
	[sflag:s0] =	ssyncset.done @!p0 $0x0  }
0x71: {  	[sflag:s0] =	ssyncadd.s32 @!p0 s1  }
0x72: {  	[bflag:$0x3] =	sbarrier.arrive $0xFFFF  }
0x73: {  	_ =	shalt  }

</sc_bundles>
